<compile_context>
chip_gen: v7x
topology: tpu7x:2x2x1
jax: 0.10.2.dev20260603
libtpu: 0.0.44.dev20260713+nightly
codegen_flags: <defaults>
</compile_context>

<pallas_src>
import functools

import jax
import jax.numpy as jnp
from jax import lax
from jax.experimental import pallas as pl
from jax.experimental.pallas import tpu as pltpu, tpu_sc as plsc

EMBED = 64
B = 4096
L = 200

NC = 2
NS = 16
NW = NC * NS
CHUNK = 100
NCHUNK = (B * L) // (CHUNK * NW)
LANES = 16


def _add_pos_rows(rows_v, pos_v, poff):

    def row_body(k, rcarry):
        r = k * 2
        for u in range(2):
            for j in range(EMBED // LANES):
                sl = pl.ds(j * LANES, LANES)
                rows_v[r + u, sl] = rows_v[r + u, sl] + pos_v[poff + r + u, sl]
        return rcarry

    lax.fori_loop(0, CHUNK // 2, row_body, 0)


def _body(x_hbm, tok_hbm, pos_hbm, out_hbm, idx_v, rows0, rows1, pos_v,
          sem0, sem1):
    wid = lax.axis_index("s") * NC + lax.axis_index("c")
    base = wid * NCHUNK
    pltpu.sync_copy(x_hbm.at[pl.ds(base, NCHUNK)], idx_v)
    pltpu.sync_copy(pos_hbm.at[pl.ds(0, 2 * CHUNK)], pos_v)

    g0 = pltpu.async_copy(tok_hbm.at[idx_v.at[0]], rows0, sem0)

    def pair_body(i, carry):
        c = i * 2
        g1 = pltpu.async_copy(tok_hbm.at[idx_v.at[c + 1]], rows1, sem1)
        pltpu.make_async_copy(tok_hbm.at[idx_v.at[c]], rows0, sem0).wait()
        _add_pos_rows(rows0, pos_v, 0)
        pltpu.sync_copy(rows0, out_hbm.at[base + c])

        @pl.when(i < NCHUNK // 2 - 1)
        def _():
            pltpu.async_copy(tok_hbm.at[idx_v.at[c + 2]], rows0, sem0)

        pltpu.make_async_copy(tok_hbm.at[idx_v.at[c + 1]], rows1, sem1).wait()
        _add_pos_rows(rows1, pos_v, CHUNK)
        pltpu.sync_copy(rows1, out_hbm.at[base + c + 1])
        return carry

    lax.fori_loop(0, NCHUNK // 2, pair_body, 0)


@jax.jit
def kernel(x, token_table, pos_table):
    xf = x.reshape(NW * NCHUNK, CHUNK)
    mesh = plsc.VectorSubcoreMesh(core_axis_name="c", subcore_axis_name="s")
    run = pl.kernel(
        _body,
        mesh=mesh,
        compiler_params=pltpu.CompilerParams(use_tc_tiling_on_sc=False),
        out_type=jax.ShapeDtypeStruct((NW * NCHUNK, CHUNK, EMBED), jnp.float32),
        scratch_types=[
            pltpu.VMEM((NCHUNK, CHUNK), jnp.int32),
            pltpu.VMEM((CHUNK, EMBED), jnp.float32),
            pltpu.VMEM((CHUNK, EMBED), jnp.float32),
            pltpu.VMEM((2 * CHUNK, EMBED), jnp.float32),
            pltpu.SemaphoreType.DMA,
            pltpu.SemaphoreType.DMA,
        ],
    )
    out = run(xf, token_table, pos_table)
    return out.reshape(B, L, EMBED)

# --- scband reference (transcript-rebuilt; emitter-appended) ---
"""Pipeline reference for scband-token-and-position-embedding-34016140984500 (READ-ONLY COPY).

The authoritative reference and input builder live on the scoring server;
editing this copy changes nothing except your own understanding.
"""

import jax, jax.numpy as jnp
import numpy as np

VOCAB = 1000000
EMBED = 64
MAX_LEN = 512
B = 4096
L = 200


def setup_inputs(seed: int = 0) -> dict:
    key = jax.random.key(seed)
    k1, k2, k3 = jax.random.split(key, 3)
    x = jax.random.randint(k1, (B, L), 0, VOCAB, dtype=jnp.int64 if jax.config.jax_enable_x64 else jnp.int32).astype(jnp.int32)
    token_table = jax.random.normal(k2, (VOCAB, EMBED), dtype=jnp.float32)
    pos_table = jax.random.normal(k3, (MAX_LEN, EMBED), dtype=jnp.float32)
    return {"x": x, "token_table": token_table, "pos_table": pos_table}


def reference(x, token_table, pos_table):
    # positions = arange(0, L)[None, :]
    positions = jnp.arange(x.shape[1])[None, :]
    tok = jnp.take(token_table, x, axis=0)              # [B, L, EMBED] gather
    pos = jnp.take(pos_table, positions, axis=0)         # [1, L, EMBED] gather
    return tok + pos

if __name__ == "__main__":
    import jax
    _d = setup_inputs()
    print(jax.jit(kernel)(*tuple(_d.values())))

</pallas_src>

<mosaic_0001>
#map = affine_map<(d0, d1) -> (0, 0)>
#map1 = affine_map<(d0, d1) -> (0, 0, 0)>
module attributes {stable_mosaic.version = 14 : i64} {
  func.func @_body(%arg0: i32, %arg1: i32, %arg2: memref<8192x100xi32, #tpu.memory_space<hbm>>, %arg3: memref<1000000x64xf32, #tpu.memory_space<hbm>>, %arg4: memref<512x64xf32, #tpu.memory_space<hbm>>, %arg5: memref<8192x100x64xf32, #tpu.memory_space<hbm>>, %arg6: memref<256x100xi32, #tpu.memory_space<vmem>>, %arg7: memref<100x64xf32, #tpu.memory_space<vmem>>, %arg8: memref<100x64xf32, #tpu.memory_space<vmem>>, %arg9: memref<200x64xf32, #tpu.memory_space<vmem>>, %arg10: memref<!tpu.dma_semaphore, #tpu.memory_space<semaphore_mem>>, %arg11: memref<!tpu.dma_semaphore, #tpu.memory_space<semaphore_mem>>) attributes {dimension_semantics = [#tpu.dimension_semantics<core_parallel>, #tpu.dimension_semantics<subcore_parallel>], iteration_bounds = array<i64: 2, 16>, scalar_prefetch = 0 : i64, scratch_operands = 6 : i64, tpu.core_type = #tpu.core_type<sc_vector_subcore>, window_params = [{transform_indices = #map}, {transform_indices = #map}, {transform_indices = #map}, {transform_indices = #map1}]} {
    %mul3A = arith.constant 2 : i32
    %mul3A_0 = arith.muli %arg1, %mul3A : i32
    %add3A = arith.addi %mul3A_0, %arg0 : i32
    %mul3A_1 = arith.constant 256 : i32
    %mul3A_2 = arith.muli %add3A, %mul3A_1 : i32
    "tpu.region"() ({
      %run_scoped3A = tpu.sem_alloc : memref<!tpu.dma_semaphore, #tpu.memory_space<semaphore_mem>>
      %dma_start3A_14 = arith.constant 0 : i32
      %dma_start3A_15 = tpu.memref_slice %arg2[%mul3A_2, %dma_start3A_14] : memref<8192x100xi32, #tpu.memory_space<hbm>> -> memref<256x100xi32, #tpu.memory_space<hbm>>
      %dma_start3A_16 = arith.constant 0 : i32
      %dma_start3A_17 = tpu.memref_slice %arg2[%mul3A_2, %dma_start3A_16] : memref<8192x100xi32, #tpu.memory_space<hbm>> -> memref<256x100xi32, #tpu.memory_space<hbm>>
      tpu.enqueue_dma source(%dma_start3A_17 : memref<256x100xi32, #tpu.memory_space<hbm>>) target(%arg6 : memref<256x100xi32, #tpu.memory_space<vmem>>) target_semaphore(%run_scoped3A : memref<!tpu.dma_semaphore, #tpu.memory_space<semaphore_mem>>)
      %dma_wait3A = arith.constant 0 : i32
      %dma_wait3A_18 = tpu.memref_slice %arg2[%mul3A_2, %dma_wait3A] : memref<8192x100xi32, #tpu.memory_space<hbm>> -> memref<256x100xi32, #tpu.memory_space<hbm>>
      %dma_wait3A_19 = arith.constant 0 : i32
      %dma_wait3A_20 = tpu.memref_slice %arg2[%mul3A_2, %dma_wait3A_19] : memref<8192x100xi32, #tpu.memory_space<hbm>> -> memref<256x100xi32, #tpu.memory_space<hbm>>
      tpu.wait_dma2 semaphore(%run_scoped3A : memref<!tpu.dma_semaphore, #tpu.memory_space<semaphore_mem>>) src(%dma_wait3A_20 : memref<256x100xi32, #tpu.memory_space<hbm>>) dst(%arg6 : memref<256x100xi32, #tpu.memory_space<vmem>>)
      tpu.yield
    }) : () -> ()
    "tpu.region"() ({
      %run_scoped3A = tpu.sem_alloc : memref<!tpu.dma_semaphore, #tpu.memory_space<semaphore_mem>>
      %dma_start3A_14 = arith.constant 0 : i32
      %dma_start3A_15 = arith.constant 0 : i32
      %dma_start3A_16 = tpu.memref_slice %arg4[%dma_start3A_14, %dma_start3A_15] : memref<512x64xf32, #tpu.memory_space<hbm>> -> memref<200x64xf32, #tpu.memory_space<hbm>>
      %dma_start3A_17 = arith.constant 0 : i32
      %dma_start3A_18 = arith.constant 0 : i32
      %dma_start3A_19 = tpu.memref_slice %arg4[%dma_start3A_17, %dma_start3A_18] : memref<512x64xf32, #tpu.memory_space<hbm>> -> memref<200x64xf32, #tpu.memory_space<hbm>>
      tpu.enqueue_dma source(%dma_start3A_19 : memref<200x64xf32, #tpu.memory_space<hbm>>) target(%arg9 : memref<200x64xf32, #tpu.memory_space<vmem>>) target_semaphore(%run_scoped3A : memref<!tpu.dma_semaphore, #tpu.memory_space<semaphore_mem>>)
      %dma_wait3A = arith.constant 0 : i32
      %dma_wait3A_20 = arith.constant 0 : i32
      %dma_wait3A_21 = tpu.memref_slice %arg4[%dma_wait3A, %dma_wait3A_20] : memref<512x64xf32, #tpu.memory_space<hbm>> -> memref<200x64xf32, #tpu.memory_space<hbm>>
      %dma_wait3A_22 = arith.constant 0 : i32
      %dma_wait3A_23 = arith.constant 0 : i32
      %dma_wait3A_24 = tpu.memref_slice %arg4[%dma_wait3A_22, %dma_wait3A_23] : memref<512x64xf32, #tpu.memory_space<hbm>> -> memref<200x64xf32, #tpu.memory_space<hbm>>
      tpu.wait_dma2 semaphore(%run_scoped3A : memref<!tpu.dma_semaphore, #tpu.memory_space<semaphore_mem>>) src(%dma_wait3A_24 : memref<200x64xf32, #tpu.memory_space<hbm>>) dst(%arg9 : memref<200x64xf32, #tpu.memory_space<vmem>>)
      tpu.yield
    }) : () -> ()
    %dma_start3A = arith.constant 0 : i32
    %dma_start3A_3 = arith.constant 0 : i32
    %dma_start3A_4 = tpu.memref_slice %arg6[%dma_start3A, %dma_start3A_3] : memref<256x100xi32, #tpu.memory_space<vmem>> -> memref<1x100xi32, #tpu.memory_space<vmem>>
    %dma_start3A_5 = tpu.memref_squeeze %dma_start3A_4 : memref<1x100xi32, #tpu.memory_space<vmem>> -> memref<100xi32, #tpu.memory_space<vmem>>
    %dma_start3A_6 = arith.constant 0 : i32
    %dma_start3A_7 = arith.constant 0 : i32
    %dma_start3A_8 = tpu.memref_slice %arg3[%dma_start3A_6, %dma_start3A_7] : memref<1000000x64xf32, #tpu.memory_space<hbm>> -> memref<1000000x64xf32, #tpu.memory_space<hbm>>
    tpu.enqueue_indirect_dma source(%dma_start3A_8 : memref<1000000x64xf32, #tpu.memory_space<hbm>>) target(%arg7 : memref<100x64xf32, #tpu.memory_space<vmem>>) offsets(%dma_start3A_5 : memref<100xi32, #tpu.memory_space<vmem>>) semaphore(%arg10 : memref<!tpu.dma_semaphore, #tpu.memory_space<semaphore_mem>>)
    %scan3A = arith.constant 0 : i32
    %scan3A_9 = arith.constant 0 : i32
    %scan3A_10 = arith.constant 128 : i32
    %scan3A_11 = arith.addi %scan3A_9, %scan3A_10 : i32
    %scan3A_12 = arith.constant 1 : i32
    scf.for %scan3A_14 = %scan3A_9 to %scan3A_11 step %scan3A_12  : i32 {
      %mul3A_15 = arith.constant 2 : i32
      %mul3A_16 = arith.muli %scan3A_14, %mul3A_15 : i32
      %add3A_17 = arith.constant 1 : i32
      %add3A_18 = arith.addi %mul3A_16, %add3A_17 : i32
      %dma_start3A_19 = arith.constant 0 : i32
      %dma_start3A_20 = tpu.memref_slice %arg6[%add3A_18, %dma_start3A_19] : memref<256x100xi32, #tpu.memory_space<vmem>> -> memref<1x100xi32, #tpu.memory_space<vmem>>
      %dma_start3A_21 = tpu.memref_squeeze %dma_start3A_20 : memref<1x100xi32, #tpu.memory_space<vmem>> -> memref<100xi32, #tpu.memory_space<vmem>>
      %dma_start3A_22 = arith.constant 0 : i32
      %dma_start3A_23 = arith.constant 0 : i32
      %dma_start3A_24 = tpu.memref_slice %arg3[%dma_start3A_22, %dma_start3A_23] : memref<1000000x64xf32, #tpu.memory_space<hbm>> -> memref<1000000x64xf32, #tpu.memory_space<hbm>>
      tpu.enqueue_indirect_dma source(%dma_start3A_24 : memref<1000000x64xf32, #tpu.memory_space<hbm>>) target(%arg8 : memref<100x64xf32, #tpu.memory_space<vmem>>) offsets(%dma_start3A_21 : memref<100xi32, #tpu.memory_space<vmem>>) semaphore(%arg11 : memref<!tpu.dma_semaphore, #tpu.memory_space<semaphore_mem>>)
      %dma_wait3A = arith.constant 0 : i32
      %dma_wait3A_25 = tpu.memref_slice %arg6[%mul3A_16, %dma_wait3A] : memref<256x100xi32, #tpu.memory_space<vmem>> -> memref<1x100xi32, #tpu.memory_space<vmem>>
      %dma_wait3A_26 = tpu.memref_squeeze %dma_wait3A_25 : memref<1x100xi32, #tpu.memory_space<vmem>> -> memref<100xi32, #tpu.memory_space<vmem>>
      %dma_wait3A_27 = arith.constant 0 : i32
      %dma_wait3A_28 = arith.constant 0 : i32
      %dma_wait3A_29 = tpu.memref_slice %arg3[%dma_wait3A_27, %dma_wait3A_28] : memref<1000000x64xf32, #tpu.memory_space<hbm>> -> memref<1000000x64xf32, #tpu.memory_space<hbm>>
      tpu.wait_indirect_dma semaphore(%arg10 : memref<!tpu.dma_semaphore, #tpu.memory_space<semaphore_mem>>) src(%dma_wait3A_29 : memref<1000000x64xf32, #tpu.memory_space<hbm>>) dst(%arg7 : memref<100x64xf32, #tpu.memory_space<vmem>>)
      %scan3A_30 = arith.constant 0 : i32
      %scan3A_31 = arith.constant 0 : i32
      %scan3A_32 = arith.constant 50 : i32
      %scan3A_33 = arith.addi %scan3A_31, %scan3A_32 : i32
      %scan3A_34 = arith.constant 1 : i32
      scf.for %scan3A_56 = %scan3A_31 to %scan3A_33 step %scan3A_34  : i32 {
        %mul3A_57 = arith.constant 2 : i32
        %mul3A_58 = arith.muli %scan3A_56, %mul3A_57 : i32
        %add3A_59 = arith.constant 0 : i32
        %add3A_60 = arith.addi %mul3A_58, %add3A_59 : i32
        %get3A = arith.index_cast %add3A_60 : i32 to index
        %get3A_61 = arith.constant 0 : index
        %get3A_62 = tpu.vector_load %arg7[%get3A, %get3A_61] {strides = array<i32>} : memref<100x64xf32, #tpu.memory_space<vmem>>, vector<1x16xf32>,
        %get3A_63 = vector.shape_cast %get3A_62 : vector<1x16xf32> to vector<16xf32>
        %add3A_64 = arith.constant 0 : i32
        %add3A_65 = arith.addi %add3A_64, %mul3A_58 : i32
        %add3A_66 = arith.constant 0 : i32
        %add3A_67 = arith.addi %add3A_65, %add3A_66 : i32
        %get3A_68 = arith.index_cast %add3A_67 : i32 to index
        %get3A_69 = arith.constant 0 : index
        %get3A_70 = tpu.vector_load %arg9[%get3A_68, %get3A_69] {strides = array<i32>} : memref<200x64xf32, #tpu.memory_space<vmem>>, vector<1x16xf32>,
        %get3A_71 = vector.shape_cast %get3A_70 : vector<1x16xf32> to vector<16xf32>
        %add3A_72 = arith.addf %get3A_63, %get3A_71 : vector<16xf32>
        %add3A_73 = arith.constant 0 : i32
        %add3A_74 = arith.addi %mul3A_58, %add3A_73 : i32
        %swap3A = arith.index_cast %add3A_74 : i32 to index
        %swap3A_75 = arith.constant 0 : index
        %swap3A_76 = tpu.vector_load %arg7[%swap3A, %swap3A_75] {strides = array<i32>} : memref<100x64xf32, #tpu.memory_space<vmem>>, vector<1x16xf32>,
        %swap3A_77 = vector.shape_cast %swap3A_76 : vector<1x16xf32> to vector<16xf32>
        %swap3A_78 = vector.shape_cast %add3A_72 : vector<16xf32> to vector<1x16xf32>
        tpu.vector_store %arg7[%swap3A, %swap3A_75], %swap3A_78 {strides = array<i32>} : memref<100x64xf32, #tpu.memory_space<vmem>>, vector<1x16xf32>,
        %add3A_79 = arith.constant 0 : i32
        %add3A_80 = arith.addi %mul3A_58, %add3A_79 : i32
        %get3A_81 = arith.index_cast %add3A_80 : i32 to index
        %get3A_82 = arith.constant 16 : index
        %get3A_83 = tpu.vector_load %arg7[%get3A_81, %get3A_82] {strides = array<i32>} : memref<100x64xf32, #tpu.memory_space<vmem>>, vector<1x16xf32>,
        %get3A_84 = vector.shape_cast %get3A_83 : vector<1x16xf32> to vector<16xf32>
        %add3A_85 = arith.constant 0 : i32
        %add3A_86 = arith.addi %add3A_85, %mul3A_58 : i32
        %add3A_87 = arith.constant 0 : i32
        %add3A_88 = arith.addi %add3A_86, %add3A_87 : i32
        %get3A_89 = arith.index_cast %add3A_88 : i32 to index
        %get3A_90 = arith.constant 16 : index
        %get3A_91 = tpu.vector_load %arg9[%get3A_89, %get3A_90] {strides = array<i32>} : memref<200x64xf32, #tpu.memory_space<vmem>>, vector<1x16xf32>,
        %get3A_92 = vector.shape_cast %get3A_91 : vector<1x16xf32> to vector<16xf32>
        %add3A_93 = arith.addf %get3A_84, %get3A_92 : vector<16xf32>
        %add3A_94 = arith.constant 0 : i32
        %add3A_95 = arith.addi %mul3A_58, %add3A_94 : i32
        %swap3A_96 = arith.index_cast %add3A_95 : i32 to index
        %swap3A_97 = arith.constant 16 : index
        %swap3A_98 = tpu.vector_load %arg7[%swap3A_96, %swap3A_97] {strides = array<i32>} : memref<100x64xf32, #tpu.memory_space<vmem>>, vector<1x16xf32>,
        %swap3A_99 = vector.shape_cast %swap3A_98 : vector<1x16xf32> to vector<16xf32>
        %swap3A_100 = vector.shape_cast %add3A_93 : vector<16xf32> to vector<1x16xf32>
        tpu.vector_store %arg7[%swap3A_96, %swap3A_97], %swap3A_100 {strides = array<i32>} : memref<100x64xf32, #tpu.memory_space<vmem>>, vector<1x16xf32>,
        %add3A_101 = arith.constant 0 : i32
        %add3A_102 = arith.addi %mul3A_58, %add3A_101 : i32
        %get3A_103 = arith.index_cast %add3A_102 : i32 to index
        %get3A_104 = arith.constant 32 : index
        %get3A_105 = tpu.vector_load %arg7[%get3A_103, %get3A_104] {strides = array<i32>} : memref<100x64xf32, #tpu.memory_space<vmem>>, vector<1x16xf32>,
        %get3A_106 = vector.shape_cast %get3A_105 : vector<1x16xf32> to vector<16xf32>
        %add3A_107 = arith.constant 0 : i32
        %add3A_108 = arith.addi %add3A_107, %mul3A_58 : i32
        %add3A_109 = arith.constant 0 : i32
        %add3A_110 = arith.addi %add3A_108, %add3A_109 : i32
        %get3A_111 = arith.index_cast %add3A_110 : i32 to index
        %get3A_112 = arith.constant 32 : index
        %get3A_113 = tpu.vector_load %arg9[%get3A_111, %get3A_112] {strides = array<i32>} : memref<200x64xf32, #tpu.memory_space<vmem>>, vector<1x16xf32>,
        %get3A_114 = vector.shape_cast %get3A_113 : vector<1x16xf32> to vector<16xf32>
        %add3A_115 = arith.addf %get3A_106, %get3A_114 : vector<16xf32>
        %add3A_116 = arith.constant 0 : i32
        %add3A_117 = arith.addi %mul3A_58, %add3A_116 : i32
        %swap3A_118 = arith.index_cast %add3A_117 : i32 to index
        %swap3A_119 = arith.constant 32 : index
        %swap3A_120 = tpu.vector_load %arg7[%swap3A_118, %swap3A_119] {strides = array<i32>} : memref<100x64xf32, #tpu.memory_space<vmem>>, vector<1x16xf32>,
        %swap3A_121 = vector.shape_cast %swap3A_120 : vector<1x16xf32> to vector<16xf32>
        %swap3A_122 = vector.shape_cast %add3A_115 : vector<16xf32> to vector<1x16xf32>
        tpu.vector_store %arg7[%swap3A_118, %swap3A_119], %swap3A_122 {strides = array<i32>} : memref<100x64xf32, #tpu.memory_space<vmem>>, vector<1x16xf32>,
        %add3A_123 = arith.constant 0 : i32
        %add3A_124 = arith.addi %mul3A_58, %add3A_123 : i32
        %get3A_125 = arith.index_cast %add3A_124 : i32 to index
        %get3A_126 = arith.constant 48 : index
        %get3A_127 = tpu.vector_load %arg7[%get3A_125, %get3A_126] {strides = array<i32>} : memref<100x64xf32, #tpu.memory_space<vmem>>, vector<1x16xf32>,
        %get3A_128 = vector.shape_cast %get3A_127 : vector<1x16xf32> to vector<16xf32>
        %add3A_129 = arith.constant 0 : i32
        %add3A_130 = arith.addi %add3A_129, %mul3A_58 : i32
        %add3A_131 = arith.constant 0 : i32
        %add3A_132 = arith.addi %add3A_130, %add3A_131 : i32
        %get3A_133 = arith.index_cast %add3A_132 : i32 to index
        %get3A_134 = arith.constant 48 : index
        %get3A_135 = tpu.vector_load %arg9[%get3A_133, %get3A_134] {strides = array<i32>} : memref<200x64xf32, #tpu.memory_space<vmem>>, vector<1x16xf32>,
        %get3A_136 = vector.shape_cast %get3A_135 : vector<1x16xf32> to vector<16xf32>
        %add3A_137 = arith.addf %get3A_128, %get3A_136 : vector<16xf32>
        %add3A_138 = arith.constant 0 : i32
        %add3A_139 = arith.addi %mul3A_58, %add3A_138 : i32
        %swap3A_140 = arith.index_cast %add3A_139 : i32 to index
        %swap3A_141 = arith.constant 48 : index
        %swap3A_142 = tpu.vector_load %arg7[%swap3A_140, %swap3A_141] {strides = array<i32>} : memref<100x64xf32, #tpu.memory_space<vmem>>, vector<1x16xf32>,
        %swap3A_143 = vector.shape_cast %swap3A_142 : vector<1x16xf32> to vector<16xf32>
        %swap3A_144 = vector.shape_cast %add3A_137 : vector<16xf32> to vector<1x16xf32>
        tpu.vector_store %arg7[%swap3A_140, %swap3A_141], %swap3A_144 {strides = array<i32>} : memref<100x64xf32, #tpu.memory_space<vmem>>, vector<1x16xf32>,
        %add3A_145 = arith.constant 1 : i32
        %add3A_146 = arith.addi %mul3A_58, %add3A_145 : i32
        %get3A_147 = arith.index_cast %add3A_146 : i32 to index
        %get3A_148 = arith.constant 0 : index
        %get3A_149 = tpu.vector_load %arg7[%get3A_147, %get3A_148] {strides = array<i32>} : memref<100x64xf32, #tpu.memory_space<vmem>>, vector<1x16xf32>,
        %get3A_150 = vector.shape_cast %get3A_149 : vector<1x16xf32> to vector<16xf32>
        %add3A_151 = arith.constant 0 : i32
        %add3A_152 = arith.addi %add3A_151, %mul3A_58 : i32
        %add3A_153 = arith.constant 1 : i32
        %add3A_154 = arith.addi %add3A_152, %add3A_153 : i32
        %get3A_155 = arith.index_cast %add3A_154 : i32 to index
        %get3A_156 = arith.constant 0 : index
        %get3A_157 = tpu.vector_load %arg9[%get3A_155, %get3A_156] {strides = array<i32>} : memref<200x64xf32, #tpu.memory_space<vmem>>, vector<1x16xf32>,
        %get3A_158 = vector.shape_cast %get3A_157 : vector<1x16xf32> to vector<16xf32>
        %add3A_159 = arith.addf %get3A_150, %get3A_158 : vector<16xf32>
        %add3A_160 = arith.constant 1 : i32
        %add3A_161 = arith.addi %mul3A_58, %add3A_160 : i32
        %swap3A_162 = arith.index_cast %add3A_161 : i32 to index
        %swap3A_163 = arith.constant 0 : index
        %swap3A_164 = tpu.vector_load %arg7[%swap3A_162, %swap3A_163] {strides = array<i32>} : memref<100x64xf32, #tpu.memory_space<vmem>>, vector<1x16xf32>,
        %swap3A_165 = vector.shape_cast %swap3A_164 : vector<1x16xf32> to vector<16xf32>
        %swap3A_166 = vector.shape_cast %add3A_159 : vector<16xf32> to vector<1x16xf32>
        tpu.vector_store %arg7[%swap3A_162, %swap3A_163], %swap3A_166 {strides = array<i32>} : memref<100x64xf32, #tpu.memory_space<vmem>>, vector<1x16xf32>,
        %add3A_167 = arith.constant 1 : i32
        %add3A_168 = arith.addi %mul3A_58, %add3A_167 : i32
        %get3A_169 = arith.index_cast %add3A_168 : i32 to index
        %get3A_170 = arith.constant 16 : index
        %get3A_171 = tpu.vector_load %arg7[%get3A_169, %get3A_170] {strides = array<i32>} : memref<100x64xf32, #tpu.memory_space<vmem>>, vector<1x16xf32>,
        %get3A_172 = vector.shape_cast %get3A_171 : vector<1x16xf32> to vector<16xf32>
        %add3A_173 = arith.constant 0 : i32
        %add3A_174 = arith.addi %add3A_173, %mul3A_58 : i32
        %add3A_175 = arith.constant 1 : i32
        %add3A_176 = arith.addi %add3A_174, %add3A_175 : i32
        %get3A_177 = arith.index_cast %add3A_176 : i32 to index
        %get3A_178 = arith.constant 16 : index
        %get3A_179 = tpu.vector_load %arg9[%get3A_177, %get3A_178] {strides = array<i32>} : memref<200x64xf32, #tpu.memory_space<vmem>>, vector<1x16xf32>,
        %get3A_180 = vector.shape_cast %get3A_179 : vector<1x16xf32> to vector<16xf32>
        %add3A_181 = arith.addf %get3A_172, %get3A_180 : vector<16xf32>
        %add3A_182 = arith.constant 1 : i32
        %add3A_183 = arith.addi %mul3A_58, %add3A_182 : i32
        %swap3A_184 = arith.index_cast %add3A_183 : i32 to index
        %swap3A_185 = arith.constant 16 : index
        %swap3A_186 = tpu.vector_load %arg7[%swap3A_184, %swap3A_185] {strides = array<i32>} : memref<100x64xf32, #tpu.memory_space<vmem>>, vector<1x16xf32>,
        %swap3A_187 = vector.shape_cast %swap3A_186 : vector<1x16xf32> to vector<16xf32>
        %swap3A_188 = vector.shape_cast %add3A_181 : vector<16xf32> to vector<1x16xf32>
        tpu.vector_store %arg7[%swap3A_184, %swap3A_185], %swap3A_188 {strides = array<i32>} : memref<100x64xf32, #tpu.memory_space<vmem>>, vector<1x16xf32>,
        %add3A_189 = arith.constant 1 : i32
        %add3A_190 = arith.addi %mul3A_58, %add3A_189 : i32
        %get3A_191 = arith.index_cast %add3A_190 : i32 to index
        %get3A_192 = arith.constant 32 : index
        %get3A_193 = tpu.vector_load %arg7[%get3A_191, %get3A_192] {strides = array<i32>} : memref<100x64xf32, #tpu.memory_space<vmem>>, vector<1x16xf32>,
        %get3A_194 = vector.shape_cast %get3A_193 : vector<1x16xf32> to vector<16xf32>
        %add3A_195 = arith.constant 0 : i32
        %add3A_196 = arith.addi %add3A_195, %mul3A_58 : i32
        %add3A_197 = arith.constant 1 : i32
        %add3A_198 = arith.addi %add3A_196, %add3A_197 : i32
        %get3A_199 = arith.index_cast %add3A_198 : i32 to index
        %get3A_200 = arith.constant 32 : index
        %get3A_201 = tpu.vector_load %arg9[%get3A_199, %get3A_200] {strides = array<i32>} : memref<200x64xf32, #tpu.memory_space<vmem>>, vector<1x16xf32>,
        %get3A_202 = vector.shape_cast %get3A_201 : vector<1x16xf32> to vector<16xf32>
        %add3A_203 = arith.addf %get3A_194, %get3A_202 : vector<16xf32>
        %add3A_204 = arith.constant 1 : i32
        %add3A_205 = arith.addi %mul3A_58, %add3A_204 : i32
        %swap3A_206 = arith.index_cast %add3A_205 : i32 to index
        %swap3A_207 = arith.constant 32 : index
        %swap3A_208 = tpu.vector_load %arg7[%swap3A_206, %swap3A_207] {strides = array<i32>} : memref<100x64xf32, #tpu.memory_space<vmem>>, vector<1x16xf32>,
        %swap3A_209 = vector.shape_cast %swap3A_208 : vector<1x16xf32> to vector<16xf32>
        %swap3A_210 = vector.shape_cast %add3A_203 : vector<16xf32> to vector<1x16xf32>
        tpu.vector_store %arg7[%swap3A_206, %swap3A_207], %swap3A_210 {strides = array<i32>} : memref<100x64xf32, #tpu.memory_space<vmem>>, vector<1x16xf32>,
        %add3A_211 = arith.constant 1 : i32
        %add3A_212 = arith.addi %mul3A_58, %add3A_211 : i32
        %get3A_213 = arith.index_cast %add3A_212 : i32 to index
        %get3A_214 = arith.constant 48 : index
        %get3A_215 = tpu.vector_load %arg7[%get3A_213, %get3A_214] {strides = array<i32>} : memref<100x64xf32, #tpu.memory_space<vmem>>, vector<1x16xf32>,
        %get3A_216 = vector.shape_cast %get3A_215 : vector<1x16xf32> to vector<16xf32>
        %add3A_217 = arith.constant 0 : i32
        %add3A_218 = arith.addi %add3A_217, %mul3A_58 : i32
        %add3A_219 = arith.constant 1 : i32
        %add3A_220 = arith.addi %add3A_218, %add3A_219 : i32
        %get3A_221 = arith.index_cast %add3A_220 : i32 to index
        %get3A_222 = arith.constant 48 : index
        %get3A_223 = tpu.vector_load %arg9[%get3A_221, %get3A_222] {strides = array<i32>} : memref<200x64xf32, #tpu.memory_space<vmem>>, vector<1x16xf32>,
        %get3A_224 = vector.shape_cast %get3A_223 : vector<1x16xf32> to vector<16xf32>
        %add3A_225 = arith.addf %get3A_216, %get3A_224 : vector<16xf32>
        %add3A_226 = arith.constant 1 : i32
        %add3A_227 = arith.addi %mul3A_58, %add3A_226 : i32
        %swap3A_228 = arith.index_cast %add3A_227 : i32 to index
        %swap3A_229 = arith.constant 48 : index
        %swap3A_230 = tpu.vector_load %arg7[%swap3A_228, %swap3A_229] {strides = array<i32>} : memref<100x64xf32, #tpu.memory_space<vmem>>, vector<1x16xf32>,
        %swap3A_231 = vector.shape_cast %swap3A_230 : vector<1x16xf32> to vector<16xf32>
        %swap3A_232 = vector.shape_cast %add3A_225 : vector<16xf32> to vector<1x16xf32>
        tpu.vector_store %arg7[%swap3A_228, %swap3A_229], %swap3A_232 {strides = array<i32>} : memref<100x64xf32, #tpu.memory_space<vmem>>, vector<1x16xf32>,
      }
      %scan3A_35 = arith.constant 50 : i32
      %add3A_36 = arith.addi %mul3A_2, %mul3A_16 : i32
      "tpu.region"() ({
        %run_scoped3A = tpu.sem_alloc : memref<!tpu.dma_semaphore, #tpu.memory_space<semaphore_mem>>
        %dma_start3A_56 = arith.constant 0 : i32
        %dma_start3A_57 = arith.constant 0 : i32
        %dma_start3A_58 = tpu.memref_slice %arg5[%add3A_36, %dma_start3A_56, %dma_start3A_57] : memref<8192x100x64xf32, #tpu.memory_space<hbm>> -> memref<1x100x64xf32, #tpu.memory_space<hbm>>
        %dma_start3A_59 = tpu.memref_squeeze %dma_start3A_58 : memref<1x100x64xf32, #tpu.memory_space<hbm>> -> memref<100x64xf32, #tpu.memory_space<hbm>>
        %dma_start3A_60 = arith.constant 0 : i32
        %dma_start3A_61 = arith.constant 0 : i32
        %dma_start3A_62 = tpu.memref_slice %arg5[%add3A_36, %dma_start3A_60, %dma_start3A_61] : memref<8192x100x64xf32, #tpu.memory_space<hbm>> -> memref<1x100x64xf32, #tpu.memory_space<hbm>>
        %dma_start3A_63 = tpu.memref_squeeze %dma_start3A_62 : memref<1x100x64xf32, #tpu.memory_space<hbm>> -> memref<100x64xf32, #tpu.memory_space<hbm>>
        tpu.enqueue_dma source(%arg7 : memref<100x64xf32, #tpu.memory_space<vmem>>) target(%dma_start3A_63 : memref<100x64xf32, #tpu.memory_space<hbm>>) target_semaphore(%run_scoped3A : memref<!tpu.dma_semaphore, #tpu.memory_space<semaphore_mem>>)
        %dma_wait3A_64 = arith.constant 0 : i32
        %dma_wait3A_65 = arith.constant 0 : i32
        %dma_wait3A_66 = tpu.memref_slice %arg5[%add3A_36, %dma_wait3A_64, %dma_wait3A_65] : memref<8192x100x64xf32, #tpu.memory_space<hbm>> -> memref<1x100x64xf32, #tpu.memory_space<hbm>>
        %dma_wait3A_67 = tpu.memref_squeeze %dma_wait3A_66 : memref<1x100x64xf32, #tpu.memory_space<hbm>> -> memref<100x64xf32, #tpu.memory_space<hbm>>
        %dma_wait3A_68 = arith.constant 0 : i32
        %dma_wait3A_69 = arith.constant 0 : i32
        %dma_wait3A_70 = tpu.memref_slice %arg5[%add3A_36, %dma_wait3A_68, %dma_wait3A_69] : memref<8192x100x64xf32, #tpu.memory_space<hbm>> -> memref<1x100x64xf32, #tpu.memory_space<hbm>>
        %dma_wait3A_71 = tpu.memref_squeeze %dma_wait3A_70 : memref<1x100x64xf32, #tpu.memory_space<hbm>> -> memref<100x64xf32, #tpu.memory_space<hbm>>
        tpu.wait_dma2 semaphore(%run_scoped3A : memref<!tpu.dma_semaphore, #tpu.memory_space<semaphore_mem>>) src(%arg7 : memref<100x64xf32, #tpu.memory_space<vmem>>) dst(%dma_wait3A_71 : memref<100x64xf32, #tpu.memory_space<hbm>>)
        tpu.yield
      }) : () -> ()
      %lt3A = arith.constant 127 : i32
      %lt3A_37 = arith.cmpi slt, %scan3A_14, %lt3A : i32
      %convert_element_type3A = arith.extui %lt3A_37 : i1 to i32
      %cond3A = arith.constant 0 : i32
      %cond3A_38 = arith.cmpi ne, %convert_element_type3A, %cond3A : i32
      scf.if %cond3A_38 {
        %add3A_56 = arith.constant 2 : i32
        %add3A_57 = arith.addi %mul3A_16, %add3A_56 : i32
        %dma_start3A_58 = arith.constant 0 : i32
        %dma_start3A_59 = tpu.memref_slice %arg6[%add3A_57, %dma_start3A_58] : memref<256x100xi32, #tpu.memory_space<vmem>> -> memref<1x100xi32, #tpu.memory_space<vmem>>
        %dma_start3A_60 = tpu.memref_squeeze %dma_start3A_59 : memref<1x100xi32, #tpu.memory_space<vmem>> -> memref<100xi32, #tpu.memory_space<vmem>>
        %dma_start3A_61 = arith.constant 0 : i32
        %dma_start3A_62 = arith.constant 0 : i32
        %dma_start3A_63 = tpu.memref_slice %arg3[%dma_start3A_61, %dma_start3A_62] : memref<1000000x64xf32, #tpu.memory_space<hbm>> -> memref<1000000x64xf32, #tpu.memory_space<hbm>>
        tpu.enqueue_indirect_dma source(%dma_start3A_63 : memref<1000000x64xf32, #tpu.memory_space<hbm>>) target(%arg7 : memref<100x64xf32, #tpu.memory_space<vmem>>) offsets(%dma_start3A_60 : memref<100xi32, #tpu.memory_space<vmem>>) semaphore(%arg10 : memref<!tpu.dma_semaphore, #tpu.memory_space<semaphore_mem>>)
      } else {
      }
      %add3A_39 = arith.constant 1 : i32
      %add3A_40 = arith.addi %mul3A_16, %add3A_39 : i32
      %dma_wait3A_41 = arith.constant 0 : i32
      %dma_wait3A_42 = tpu.memref_slice %arg6[%add3A_40, %dma_wait3A_41] : memref<256x100xi32, #tpu.memory_space<vmem>> -> memref<1x100xi32, #tpu.memory_space<vmem>>
      %dma_wait3A_43 = tpu.memref_squeeze %dma_wait3A_42 : memref<1x100xi32, #tpu.memory_space<vmem>> -> memref<100xi32, #tpu.memory_space<vmem>>
      %dma_wait3A_44 = arith.constant 0 : i32
      %dma_wait3A_45 = arith.constant 0 : i32
      %dma_wait3A_46 = tpu.memref_slice %arg3[%dma_wait3A_44, %dma_wait3A_45] : memref<1000000x64xf32, #tpu.memory_space<hbm>> -> memref<1000000x64xf32, #tpu.memory_space<hbm>>
      tpu.wait_indirect_dma semaphore(%arg11 : memref<!tpu.dma_semaphore, #tpu.memory_space<semaphore_mem>>) src(%dma_wait3A_46 : memref<1000000x64xf32, #tpu.memory_space<hbm>>) dst(%arg8 : memref<100x64xf32, #tpu.memory_space<vmem>>)
      %scan3A_47 = arith.constant 0 : i32
      %scan3A_48 = arith.constant 0 : i32
      %scan3A_49 = arith.constant 50 : i32
      %scan3A_50 = arith.addi %scan3A_48, %scan3A_49 : i32
      %scan3A_51 = arith.constant 1 : i32
      scf.for %scan3A_56 = %scan3A_48 to %scan3A_50 step %scan3A_51  : i32 {
        %mul3A_57 = arith.constant 2 : i32
        %mul3A_58 = arith.muli %scan3A_56, %mul3A_57 : i32
        %add3A_59 = arith.constant 0 : i32
        %add3A_60 = arith.addi %mul3A_58, %add3A_59 : i32
        %get3A = arith.index_cast %add3A_60 : i32 to index
        %get3A_61 = arith.constant 0 : index
        %get3A_62 = tpu.vector_load %arg8[%get3A, %get3A_61] {strides = array<i32>} : memref<100x64xf32, #tpu.memory_space<vmem>>, vector<1x16xf32>,
        %get3A_63 = vector.shape_cast %get3A_62 : vector<1x16xf32> to vector<16xf32>
        %add3A_64 = arith.constant 100 : i32
        %add3A_65 = arith.addi %add3A_64, %mul3A_58 : i32
        %add3A_66 = arith.constant 0 : i32
        %add3A_67 = arith.addi %add3A_65, %add3A_66 : i32
        %get3A_68 = arith.index_cast %add3A_67 : i32 to index
        %get3A_69 = arith.constant 0 : index
        %get3A_70 = tpu.vector_load %arg9[%get3A_68, %get3A_69] {strides = array<i32>} : memref<200x64xf32, #tpu.memory_space<vmem>>, vector<1x16xf32>,
        %get3A_71 = vector.shape_cast %get3A_70 : vector<1x16xf32> to vector<16xf32>
        %add3A_72 = arith.addf %get3A_63, %get3A_71 : vector<16xf32>
        %add3A_73 = arith.constant 0 : i32
        %add3A_74 = arith.addi %mul3A_58, %add3A_73 : i32
        %swap3A = arith.index_cast %add3A_74 : i32 to index
        %swap3A_75 = arith.constant 0 : index
        %swap3A_76 = tpu.vector_load %arg8[%swap3A, %swap3A_75] {strides = array<i32>} : memref<100x64xf32, #tpu.memory_space<vmem>>, vector<1x16xf32>,
        %swap3A_77 = vector.shape_cast %swap3A_76 : vector<1x16xf32> to vector<16xf32>
        %swap3A_78 = vector.shape_cast %add3A_72 : vector<16xf32> to vector<1x16xf32>
        tpu.vector_store %arg8[%swap3A, %swap3A_75], %swap3A_78 {strides = array<i32>} : memref<100x64xf32, #tpu.memory_space<vmem>>, vector<1x16xf32>,
        %add3A_79 = arith.constant 0 : i32
        %add3A_80 = arith.addi %mul3A_58, %add3A_79 : i32
        %get3A_81 = arith.index_cast %add3A_80 : i32 to index
        %get3A_82 = arith.constant 16 : index
        %get3A_83 = tpu.vector_load %arg8[%get3A_81, %get3A_82] {strides = array<i32>} : memref<100x64xf32, #tpu.memory_space<vmem>>, vector<1x16xf32>,
        %get3A_84 = vector.shape_cast %get3A_83 : vector<1x16xf32> to vector<16xf32>
        %add3A_85 = arith.constant 100 : i32
        %add3A_86 = arith.addi %add3A_85, %mul3A_58 : i32
        %add3A_87 = arith.constant 0 : i32
        %add3A_88 = arith.addi %add3A_86, %add3A_87 : i32
        %get3A_89 = arith.index_cast %add3A_88 : i32 to index
        %get3A_90 = arith.constant 16 : index
        %get3A_91 = tpu.vector_load %arg9[%get3A_89, %get3A_90] {strides = array<i32>} : memref<200x64xf32, #tpu.memory_space<vmem>>, vector<1x16xf32>,
        %get3A_92 = vector.shape_cast %get3A_91 : vector<1x16xf32> to vector<16xf32>
        %add3A_93 = arith.addf %get3A_84, %get3A_92 : vector<16xf32>
        %add3A_94 = arith.constant 0 : i32
        %add3A_95 = arith.addi %mul3A_58, %add3A_94 : i32
        %swap3A_96 = arith.index_cast %add3A_95 : i32 to index
        %swap3A_97 = arith.constant 16 : index
        %swap3A_98 = tpu.vector_load %arg8[%swap3A_96, %swap3A_97] {strides = array<i32>} : memref<100x64xf32, #tpu.memory_space<vmem>>, vector<1x16xf32>,
        %swap3A_99 = vector.shape_cast %swap3A_98 : vector<1x16xf32> to vector<16xf32>
        %swap3A_100 = vector.shape_cast %add3A_93 : vector<16xf32> to vector<1x16xf32>
        tpu.vector_store %arg8[%swap3A_96, %swap3A_97], %swap3A_100 {strides = array<i32>} : memref<100x64xf32, #tpu.memory_space<vmem>>, vector<1x16xf32>,
        %add3A_101 = arith.constant 0 : i32
        %add3A_102 = arith.addi %mul3A_58, %add3A_101 : i32
        %get3A_103 = arith.index_cast %add3A_102 : i32 to index
        %get3A_104 = arith.constant 32 : index
        %get3A_105 = tpu.vector_load %arg8[%get3A_103, %get3A_104] {strides = array<i32>} : memref<100x64xf32, #tpu.memory_space<vmem>>, vector<1x16xf32>,
        %get3A_106 = vector.shape_cast %get3A_105 : vector<1x16xf32> to vector<16xf32>
        %add3A_107 = arith.constant 100 : i32
        %add3A_108 = arith.addi %add3A_107, %mul3A_58 : i32
        %add3A_109 = arith.constant 0 : i32
        %add3A_110 = arith.addi %add3A_108, %add3A_109 : i32
        %get3A_111 = arith.index_cast %add3A_110 : i32 to index
        %get3A_112 = arith.constant 32 : index
        %get3A_113 = tpu.vector_load %arg9[%get3A_111, %get3A_112] {strides = array<i32>} : memref<200x64xf32, #tpu.memory_space<vmem>>, vector<1x16xf32>,
        %get3A_114 = vector.shape_cast %get3A_113 : vector<1x16xf32> to vector<16xf32>
        %add3A_115 = arith.addf %get3A_106, %get3A_114 : vector<16xf32>
        %add3A_116 = arith.constant 0 : i32
        %add3A_117 = arith.addi %mul3A_58, %add3A_116 : i32
        %swap3A_118 = arith.index_cast %add3A_117 : i32 to index
        %swap3A_119 = arith.constant 32 : index
        %swap3A_120 = tpu.vector_load %arg8[%swap3A_118, %swap3A_119] {strides = array<i32>} : memref<100x64xf32, #tpu.memory_space<vmem>>, vector<1x16xf32>,
        %swap3A_121 = vector.shape_cast %swap3A_120 : vector<1x16xf32> to vector<16xf32>
        %swap3A_122 = vector.shape_cast %add3A_115 : vector<16xf32> to vector<1x16xf32>
        tpu.vector_store %arg8[%swap3A_118, %swap3A_119], %swap3A_122 {strides = array<i32>} : memref<100x64xf32, #tpu.memory_space<vmem>>, vector<1x16xf32>,
        %add3A_123 = arith.constant 0 : i32
        %add3A_124 = arith.addi %mul3A_58, %add3A_123 : i32
        %get3A_125 = arith.index_cast %add3A_124 : i32 to index
        %get3A_126 = arith.constant 48 : index
        %get3A_127 = tpu.vector_load %arg8[%get3A_125, %get3A_126] {strides = array<i32>} : memref<100x64xf32, #tpu.memory_space<vmem>>, vector<1x16xf32>,
        %get3A_128 = vector.shape_cast %get3A_127 : vector<1x16xf32> to vector<16xf32>
        %add3A_129 = arith.constant 100 : i32
        %add3A_130 = arith.addi %add3A_129, %mul3A_58 : i32
        %add3A_131 = arith.constant 0 : i32
        %add3A_132 = arith.addi %add3A_130, %add3A_131 : i32
        %get3A_133 = arith.index_cast %add3A_132 : i32 to index
        %get3A_134 = arith.constant 48 : index
        %get3A_135 = tpu.vector_load %arg9[%get3A_133, %get3A_134] {strides = array<i32>} : memref<200x64xf32, #tpu.memory_space<vmem>>, vector<1x16xf32>,
        %get3A_136 = vector.shape_cast %get3A_135 : vector<1x16xf32> to vector<16xf32>
        %add3A_137 = arith.addf %get3A_128, %get3A_136 : vector<16xf32>
        %add3A_138 = arith.constant 0 : i32
        %add3A_139 = arith.addi %mul3A_58, %add3A_138 : i32
        %swap3A_140 = arith.index_cast %add3A_139 : i32 to index
        %swap3A_141 = arith.constant 48 : index
        %swap3A_142 = tpu.vector_load %arg8[%swap3A_140, %swap3A_141] {strides = array<i32>} : memref<100x64xf32, #tpu.memory_space<vmem>>, vector<1x16xf32>,
        %swap3A_143 = vector.shape_cast %swap3A_142 : vector<1x16xf32> to vector<16xf32>
        %swap3A_144 = vector.shape_cast %add3A_137 : vector<16xf32> to vector<1x16xf32>
        tpu.vector_store %arg8[%swap3A_140, %swap3A_141], %swap3A_144 {strides = array<i32>} : memref<100x64xf32, #tpu.memory_space<vmem>>, vector<1x16xf32>,
        %add3A_145 = arith.constant 1 : i32
        %add3A_146 = arith.addi %mul3A_58, %add3A_145 : i32
        %get3A_147 = arith.index_cast %add3A_146 : i32 to index
        %get3A_148 = arith.constant 0 : index
        %get3A_149 = tpu.vector_load %arg8[%get3A_147, %get3A_148] {strides = array<i32>} : memref<100x64xf32, #tpu.memory_space<vmem>>, vector<1x16xf32>,
        %get3A_150 = vector.shape_cast %get3A_149 : vector<1x16xf32> to vector<16xf32>
        %add3A_151 = arith.constant 100 : i32
        %add3A_152 = arith.addi %add3A_151, %mul3A_58 : i32
        %add3A_153 = arith.constant 1 : i32
        %add3A_154 = arith.addi %add3A_152, %add3A_153 : i32
        %get3A_155 = arith.index_cast %add3A_154 : i32 to index
        %get3A_156 = arith.constant 0 : index
        %get3A_157 = tpu.vector_load %arg9[%get3A_155, %get3A_156] {strides = array<i32>} : memref<200x64xf32, #tpu.memory_space<vmem>>, vector<1x16xf32>,
        %get3A_158 = vector.shape_cast %get3A_157 : vector<1x16xf32> to vector<16xf32>
        %add3A_159 = arith.addf %get3A_150, %get3A_158 : vector<16xf32>
        %add3A_160 = arith.constant 1 : i32
        %add3A_161 = arith.addi %mul3A_58, %add3A_160 : i32
        %swap3A_162 = arith.index_cast %add3A_161 : i32 to index
        %swap3A_163 = arith.constant 0 : index
        %swap3A_164 = tpu.vector_load %arg8[%swap3A_162, %swap3A_163] {strides = array<i32>} : memref<100x64xf32, #tpu.memory_space<vmem>>, vector<1x16xf32>,
        %swap3A_165 = vector.shape_cast %swap3A_164 : vector<1x16xf32> to vector<16xf32>
        %swap3A_166 = vector.shape_cast %add3A_159 : vector<16xf32> to vector<1x16xf32>
        tpu.vector_store %arg8[%swap3A_162, %swap3A_163], %swap3A_166 {strides = array<i32>} : memref<100x64xf32, #tpu.memory_space<vmem>>, vector<1x16xf32>,
        %add3A_167 = arith.constant 1 : i32
        %add3A_168 = arith.addi %mul3A_58, %add3A_167 : i32
        %get3A_169 = arith.index_cast %add3A_168 : i32 to index
        %get3A_170 = arith.constant 16 : index
        %get3A_171 = tpu.vector_load %arg8[%get3A_169, %get3A_170] {strides = array<i32>} : memref<100x64xf32, #tpu.memory_space<vmem>>, vector<1x16xf32>,
        %get3A_172 = vector.shape_cast %get3A_171 : vector<1x16xf32> to vector<16xf32>
        %add3A_173 = arith.constant 100 : i32
        %add3A_174 = arith.addi %add3A_173, %mul3A_58 : i32
        %add3A_175 = arith.constant 1 : i32
        %add3A_176 = arith.addi %add3A_174, %add3A_175 : i32
        %get3A_177 = arith.index_cast %add3A_176 : i32 to index
        %get3A_178 = arith.constant 16 : index
        %get3A_179 = tpu.vector_load %arg9[%get3A_177, %get3A_178] {strides = array<i32>} : memref<200x64xf32, #tpu.memory_space<vmem>>, vector<1x16xf32>,
        %get3A_180 = vector.shape_cast %get3A_179 : vector<1x16xf32> to vector<16xf32>
        %add3A_181 = arith.addf %get3A_172, %get3A_180 : vector<16xf32>
        %add3A_182 = arith.constant 1 : i32
        %add3A_183 = arith.addi %mul3A_58, %add3A_182 : i32
        %swap3A_184 = arith.index_cast %add3A_183 : i32 to index
        %swap3A_185 = arith.constant 16 : index
        %swap3A_186 = tpu.vector_load %arg8[%swap3A_184, %swap3A_185] {strides = array<i32>} : memref<100x64xf32, #tpu.memory_space<vmem>>, vector<1x16xf32>,
        %swap3A_187 = vector.shape_cast %swap3A_186 : vector<1x16xf32> to vector<16xf32>
        %swap3A_188 = vector.shape_cast %add3A_181 : vector<16xf32> to vector<1x16xf32>
        tpu.vector_store %arg8[%swap3A_184, %swap3A_185], %swap3A_188 {strides = array<i32>} : memref<100x64xf32, #tpu.memory_space<vmem>>, vector<1x16xf32>,
        %add3A_189 = arith.constant 1 : i32
        %add3A_190 = arith.addi %mul3A_58, %add3A_189 : i32
        %get3A_191 = arith.index_cast %add3A_190 : i32 to index
        %get3A_192 = arith.constant 32 : index
        %get3A_193 = tpu.vector_load %arg8[%get3A_191, %get3A_192] {strides = array<i32>} : memref<100x64xf32, #tpu.memory_space<vmem>>, vector<1x16xf32>,
        %get3A_194 = vector.shape_cast %get3A_193 : vector<1x16xf32> to vector<16xf32>
        %add3A_195 = arith.constant 100 : i32
        %add3A_196 = arith.addi %add3A_195, %mul3A_58 : i32
        %add3A_197 = arith.constant 1 : i32
        %add3A_198 = arith.addi %add3A_196, %add3A_197 : i32
        %get3A_199 = arith.index_cast %add3A_198 : i32 to index
        %get3A_200 = arith.constant 32 : index
        %get3A_201 = tpu.vector_load %arg9[%get3A_199, %get3A_200] {strides = array<i32>} : memref<200x64xf32, #tpu.memory_space<vmem>>, vector<1x16xf32>,
        %get3A_202 = vector.shape_cast %get3A_201 : vector<1x16xf32> to vector<16xf32>
        %add3A_203 = arith.addf %get3A_194, %get3A_202 : vector<16xf32>
        %add3A_204 = arith.constant 1 : i32
        %add3A_205 = arith.addi %mul3A_58, %add3A_204 : i32
        %swap3A_206 = arith.index_cast %add3A_205 : i32 to index
        %swap3A_207 = arith.constant 32 : index
        %swap3A_208 = tpu.vector_load %arg8[%swap3A_206, %swap3A_207] {strides = array<i32>} : memref<100x64xf32, #tpu.memory_space<vmem>>, vector<1x16xf32>,
        %swap3A_209 = vector.shape_cast %swap3A_208 : vector<1x16xf32> to vector<16xf32>
        %swap3A_210 = vector.shape_cast %add3A_203 : vector<16xf32> to vector<1x16xf32>
        tpu.vector_store %arg8[%swap3A_206, %swap3A_207], %swap3A_210 {strides = array<i32>} : memref<100x64xf32, #tpu.memory_space<vmem>>, vector<1x16xf32>,
        %add3A_211 = arith.constant 1 : i32
        %add3A_212 = arith.addi %mul3A_58, %add3A_211 : i32
        %get3A_213 = arith.index_cast %add3A_212 : i32 to index
        %get3A_214 = arith.constant 48 : index
        %get3A_215 = tpu.vector_load %arg8[%get3A_213, %get3A_214] {strides = array<i32>} : memref<100x64xf32, #tpu.memory_space<vmem>>, vector<1x16xf32>,
        %get3A_216 = vector.shape_cast %get3A_215 : vector<1x16xf32> to vector<16xf32>
        %add3A_217 = arith.constant 100 : i32
        %add3A_218 = arith.addi %add3A_217, %mul3A_58 : i32
        %add3A_219 = arith.constant 1 : i32
        %add3A_220 = arith.addi %add3A_218, %add3A_219 : i32
        %get3A_221 = arith.index_cast %add3A_220 : i32 to index
        %get3A_222 = arith.constant 48 : index
        %get3A_223 = tpu.vector_load %arg9[%get3A_221, %get3A_222] {strides = array<i32>} : memref<200x64xf32, #tpu.memory_space<vmem>>, vector<1x16xf32>,
        %get3A_224 = vector.shape_cast %get3A_223 : vector<1x16xf32> to vector<16xf32>
        %add3A_225 = arith.addf %get3A_216, %get3A_224 : vector<16xf32>
        %add3A_226 = arith.constant 1 : i32
        %add3A_227 = arith.addi %mul3A_58, %add3A_226 : i32
        %swap3A_228 = arith.index_cast %add3A_227 : i32 to index
        %swap3A_229 = arith.constant 48 : index
        %swap3A_230 = tpu.vector_load %arg8[%swap3A_228, %swap3A_229] {strides = array<i32>} : memref<100x64xf32, #tpu.memory_space<vmem>>, vector<1x16xf32>,
        %swap3A_231 = vector.shape_cast %swap3A_230 : vector<1x16xf32> to vector<16xf32>
        %swap3A_232 = vector.shape_cast %add3A_225 : vector<16xf32> to vector<1x16xf32>
        tpu.vector_store %arg8[%swap3A_228, %swap3A_229], %swap3A_232 {strides = array<i32>} : memref<100x64xf32, #tpu.memory_space<vmem>>, vector<1x16xf32>,
      }
      %scan3A_52 = arith.constant 50 : i32
      %add3A_53 = arith.addi %mul3A_2, %mul3A_16 : i32
      %add3A_54 = arith.constant 1 : i32
      %add3A_55 = arith.addi %add3A_53, %add3A_54 : i32
      "tpu.region"() ({
        %run_scoped3A = tpu.sem_alloc : memref<!tpu.dma_semaphore, #tpu.memory_space<semaphore_mem>>
        %dma_start3A_56 = arith.constant 0 : i32
        %dma_start3A_57 = arith.constant 0 : i32
        %dma_start3A_58 = tpu.memref_slice %arg5[%add3A_55, %dma_start3A_56, %dma_start3A_57] : memref<8192x100x64xf32, #tpu.memory_space<hbm>> -> memref<1x100x64xf32, #tpu.memory_space<hbm>>
        %dma_start3A_59 = tpu.memref_squeeze %dma_start3A_58 : memref<1x100x64xf32, #tpu.memory_space<hbm>> -> memref<100x64xf32, #tpu.memory_space<hbm>>
        %dma_start3A_60 = arith.constant 0 : i32
        %dma_start3A_61 = arith.constant 0 : i32
        %dma_start3A_62 = tpu.memref_slice %arg5[%add3A_55, %dma_start3A_60, %dma_start3A_61] : memref<8192x100x64xf32, #tpu.memory_space<hbm>> -> memref<1x100x64xf32, #tpu.memory_space<hbm>>
        %dma_start3A_63 = tpu.memref_squeeze %dma_start3A_62 : memref<1x100x64xf32, #tpu.memory_space<hbm>> -> memref<100x64xf32, #tpu.memory_space<hbm>>
        tpu.enqueue_dma source(%arg8 : memref<100x64xf32, #tpu.memory_space<vmem>>) target(%dma_start3A_63 : memref<100x64xf32, #tpu.memory_space<hbm>>) target_semaphore(%run_scoped3A : memref<!tpu.dma_semaphore, #tpu.memory_space<semaphore_mem>>)
        %dma_wait3A_64 = arith.constant 0 : i32
        %dma_wait3A_65 = arith.constant 0 : i32
        %dma_wait3A_66 = tpu.memref_slice %arg5[%add3A_55, %dma_wait3A_64, %dma_wait3A_65] : memref<8192x100x64xf32, #tpu.memory_space<hbm>> -> memref<1x100x64xf32, #tpu.memory_space<hbm>>
        %dma_wait3A_67 = tpu.memref_squeeze %dma_wait3A_66 : memref<1x100x64xf32, #tpu.memory_space<hbm>> -> memref<100x64xf32, #tpu.memory_space<hbm>>
        %dma_wait3A_68 = arith.constant 0 : i32
        %dma_wait3A_69 = arith.constant 0 : i32
        %dma_wait3A_70 = tpu.memref_slice %arg5[%add3A_55, %dma_wait3A_68, %dma_wait3A_69] : memref<8192x100x64xf32, #tpu.memory_space<hbm>> -> memref<1x100x64xf32, #tpu.memory_space<hbm>>
        %dma_wait3A_71 = tpu.memref_squeeze %dma_wait3A_70 : memref<1x100x64xf32, #tpu.memory_space<hbm>> -> memref<100x64xf32, #tpu.memory_space<hbm>>
        tpu.wait_dma2 semaphore(%run_scoped3A : memref<!tpu.dma_semaphore, #tpu.memory_space<semaphore_mem>>) src(%arg8 : memref<100x64xf32, #tpu.memory_space<vmem>>) dst(%dma_wait3A_71 : memref<100x64xf32, #tpu.memory_space<hbm>>)
        tpu.yield
      }) : () -> ()
    }
    %scan3A_13 = arith.constant 128 : i32
    return
  }
}

</mosaic_0001>

<sc_bundles>
// kernel: kernel.3.cloned.1.call-start
scs
__scs_entry_jumppad:
0x0: {  	(pc) =	sbr.rel $0x88, $3  }
0x1: {  	(tag) =	ssettag $0x0;
	lr =	simm.s32 $0x1  }
0x2: {  	[smem:$0x3F9E] =	sst lr;
	_ =	strace $0xD0000000  }
0x3: {  	_ = 	snop  }
0x4: {  	_ = 	snop  }
0x5: {  	_ = 	snop  }
0x6: {  	_ = 	snop  }
0x7: {  	_ = 	snop  }
__scs_overlays_trampoline_lowered:
0x8: {  	[smem:$0x3FAD] =	sst s0  }
0x9: {  	[smem:$0x3FAE] =	sst s1  }
0xa: {  	[smem:$0x3FAF] =	sst s2  }
0xb: {  	[smem:$0x3FB0] =	sst s3  }
0xc: {  	[smem:$0x3FB1] =	sst s4  }
0xd: {  	[smem:$0x3FB2] =	sst s5  }
0xe: {  	[smem:$0x3FB3] =	sst s6  }
0xf: {  	[smem:$0x3FB4] =	sst s7  }
0x10: {  	[smem:$0x3FB5] =	sst s8  }
0x11: {  	[smem:$0x3FB6] =	sst s9;
	s0 =	simm.s32 @!p0 $0x0  }
0x12: {  	s1 =	sld [smem:$0x3F9C];
	s0 =	simm.s32 @p0 $0x1  }
0x13: {  	[smem:$0x3FB7] =	sst s0;
	s0 =	simm.s32 @!p1 $0x0  }
0x14: {  	s2 =	sld [smem:$0x3F9B];
	s0 =	simm.s32 @p1 $0x1  }
0x15: {  	[smem:$0x3FB8] =	sst s0;
	s0 =	simm.s32 @!p2 $0x0  }
0x16: {  	s3 =	sld [smem:$0x3FDB];
	s0 =	simm.s32 @p2 $0x1  }
0x17: {  	s4 =	simm.s32 $0x1BF5;
	[smem:$0x3FBA] =	sst s0  }
0x18: {  	s0 =	sld [smem:$0x3F9D];
	_ =	swait.ge [sflag:s4], $0x0  }
0x19: {  	s7 =	sld [smem:$0x3F9E]  }
0x1a: {  	s8 =	sadd.s32 $0xFFFFE003, lr  }
0x1b: {  	s9 =	sadd.s32 $0xFFFFFEF7, lr;
	s5 =	simm.s32 $0xFFFFFFFF;
	p2 =	slt.u32 s8, $0xFFFFF086  }
0x1c: {  	p1 =	slt.u32 s9, $0xF7A;
	s5 =	simm.s32 @!p2 $0x0  }
0x1d: {  	s5 =	simm.s32 @p1 $0x1;
	p0 =	seq.s32 s7, s2  }
0x1e: {  	s7 =	smul.u32 @!p0 $0xF7A, s2;
	p2 =	seq.s32 @!p0 s5, $0x0  }
0x1f: {  	s9 =	smul.u32 $0xF7A, s1;
	s8 =	simm.s32 @!p0 $0x1BF5;
	p2 =	por !p2, p0  }
0x20: {  	[sflag:s8] =	ssyncset.s32 @!p0 $0xFFFFF086;
	s6 =	sadd.s32 @!p0 s3, s7;
	s7 =	simm.s32 @!p0 $0x108  }
0x21: {  	s3 =	sadd.s32 s3, s9;
	s6 =	sadd.s32 @!p0 $0x88, s6;
	s7 =	simm.s32 @p2 $0x1082  }
0x22: {  	[simem:s7], [sflag:s8] =	dma.local @!p0 [hbm:s6], $0xF7A  }
0x23: {  	s9 =	sor.u32 $0xD0000000, s2;
	s6 =	simm.s32 $0x108;
	_ =	swait.ge @!p0 [sflag:s8], $0x0  }
0x24: {  	s3 =	sadd.s32 $0x88, s3;
	s6 =	simm.s32 @!p1 $0x1082;
	[sflag:s4] =	ssyncset.s32 $0xFFFFF086  }
0x25: {  	[simem:s6], [sflag:s4] =	dma.local [hbm:s3], $0xF7A  }
0x26: {  	[smem:$0x3F9E] =	sst s1;
	(tag) =	ssettag s2;
	_ =	strace s9  }
0x27: {  	s1 =	sld [smem:$0x3FAE]  }
0x28: {  	s2 =	sld [smem:$0x3FAF]  }
0x29: {  	s4 =	sld [smem:$0x3FB1]  }
0x2a: {  	p0 =	seq.s32 s5, $0x0;
	s5 =	sld [smem:$0x3FB2]  }
0x2b: {  	s6 =	sld [smem:$0x3FB3]  }
0x2c: {  	s7 =	sld [smem:$0x3FB4]  }
0x2d: {  	s3 =	simm.s32 $0x108;
	s8 =	sld [smem:$0x3FB5]  }
0x2e: {  	s3 =	simm.s32 @!p0 $0x1082;
	s9 =	sld [smem:$0x3FB6]  }
0x2f: {  	lr =	sadd.s32 s0, s3;
	s0 =	sld [smem:$0x3FAD]  }
0x30: {  	s3 =	sld [smem:$0x3FB0]  }
0x31: {  	[smem:$0x3FB9] =	sst s10  }
0x32: {  	s10 =	sld [smem:$0x3FB7];
	_ =	sdelay $0x3  }
0x33: {  	p0 =	seq.s32 s10, $0x1;
	s10 =	sld [smem:$0x3FB9];
	_ =	sdelay $0x3  }
0x34: {  	[smem:$0x3FB9] =	sst s10  }
0x35: {  	s10 =	sld [smem:$0x3FB8];
	_ =	sdelay $0x3  }
0x36: {  	p1 =	seq.s32 s10, $0x1;
	s10 =	sld [smem:$0x3FB9];
	_ =	sdelay $0x3  }
0x37: {  	[smem:$0x3FB9] =	sst s10  }
0x38: {  	s10 =	sld [smem:$0x3FBA]  }
0x39: {  	_ = 	snop;
	(pc) =	sbr.ind lr, $3  }
0x3a: {  	_ = 	snop  }
0x3b: {  	_ = 	snop  }
0x3c: {  	p2 =	seq.s32 s10, $0x1;
	s10 =	sld [smem:$0x3FB9]  }
0x3d: {  	_ =	shalt  }
0x3e: {  	_ =	shalt  }
0x3f: {  	_ =	shalt  }
0x40: {  	_ =	shalt  }
0x41: {  	_ =	shalt  }
0x42: {  	_ =	shalt  }
0x43: {  	_ =	shalt  }
0x44: {  	_ =	shalt  }
0x45: {  	_ =	shalt  }
0x46: {  	_ =	shalt  }
0x47: {  	_ =	shalt  }
0x48: {  	_ =	shalt  }
0x49: {  	_ =	shalt  }
0x4a: {  	_ =	shalt  }
0x4b: {  	_ =	shalt  }
0x4c: {  	_ =	shalt  }
0x4d: {  	_ =	shalt  }
0x4e: {  	_ =	shalt  }
0x4f: {  	_ =	shalt  }
0x50: {  	_ =	shalt  }
0x51: {  	_ =	shalt  }
0x52: {  	_ =	shalt  }
0x53: {  	_ =	shalt  }
0x54: {  	_ =	shalt  }
0x55: {  	_ =	shalt  }
0x56: {  	_ =	shalt  }
0x57: {  	_ =	shalt  }
0x58: {  	_ =	shalt  }
0x59: {  	_ =	shalt  }
0x5a: {  	_ =	shalt  }
0x5b: {  	_ =	shalt  }
0x5c: {  	_ =	shalt  }
0x5d: {  	_ =	shalt  }
0x5e: {  	_ =	shalt  }
0x5f: {  	_ =	shalt  }
0x60: {  	_ =	shalt  }
0x61: {  	_ =	shalt  }
0x62: {  	_ =	shalt  }
0x63: {  	_ =	shalt  }
0x64: {  	_ =	shalt  }
0x65: {  	_ =	shalt  }
0x66: {  	_ =	shalt  }
0x67: {  	_ =	shalt  }
0x68: {  	_ =	shalt  }
0x69: {  	_ =	shalt  }
0x6a: {  	_ =	shalt  }
0x6b: {  	_ =	shalt  }
0x6c: {  	_ =	shalt  }
0x6d: {  	_ =	shalt  }
0x6e: {  	_ =	shalt  }
0x6f: {  	_ =	shalt  }
0x70: {  	_ =	shalt  }
0x71: {  	_ =	shalt  }
0x72: {  	_ =	shalt  }
0x73: {  	_ =	shalt  }
0x74: {  	_ =	shalt  }
0x75: {  	_ =	shalt  }
0x76: {  	_ =	shalt  }
0x77: {  	_ =	shalt  }
0x78: {  	_ =	shalt  }
0x79: {  	_ =	shalt  }
0x7a: {  	_ =	shalt  }
0x7b: {  	_ =	shalt  }
0x7c: {  	_ =	shalt  }
0x7d: {  	_ =	shalt  }
0x7e: {  	_ =	shalt  }
0x7f: {  	_ =	shalt  }
0x80: {  	_ =	shalt  }
0x81: {  	_ =	shalt  }
0x82: {  	_ =	shalt  }
0x83: {  	_ =	shalt  }
0x84: {  	_ =	shalt  }
0x85: {  	_ =	shalt  }
0x86: {  	_ =	shalt  }
0x87: {  	_ =	shalt  }
.Lfunc_end0:
.L_simem_size_0:
called_computation.1_lowered:
.L_overlay_start_0:
0x88: {  	s2 =	sld [smem:$0x3FD9]  }
0x89: {  	s3 =	sld [smem:$0x3FFE];
	_ =	sdelay $0x1  }
0x8a: {  	s1 =	srdreg.scid  }
0x8b: {  	s0 =	sand.u32 $0x1, s1  }
0x8c: {  	s17 =	sshll.u32 s0, $0xA;
	s2 =	sadd.s32 s3, s2  }
0x8d: {  	s2 =	sadd.s32 s2, s17  }
0x8e: {  	[smem:$0x3FC5] =	sst s2  }
0x8f: {  	_ = 	snop  }
0x90: {  	s2 =	sld [smem:$0x3FD0];
	(tm) =	ssettm $0x1  }
0x91: {  	s18 =	sld [smem:$0x3FFB];
	_ =	sdelay $0x3  }
0x92: {  	_ =	strace s18  }
0x93: {  	s3 =	sld [smem:$0x3FFC];
	_ =	sdelay $0x3  }
0x94: {  	_ =	strace s3  }
0x95: {  	s3 =	sld [smem:$0x3FFD];
	_ =	sdelay $0x3  }
0x96: {  	_ =	strace s3  }
0x97: {  	_ =	strace $0x8FFFFFFF  }
0x98: {  	s19 =	sld [smem:$0x3FDB];
	_ =	sdelay $0x1  }
0x99: {  	s4 =	simm.s32 $_scs_section_size  }
0x9a: {  	s5 =	simm.s32 $_size__tile_overlayer_lowered;
	s6 =	simm.s32 $_tile_overlayer_lowered  }
0x9b: {  	s22 =	simm.s32 $0x1BFF;
	s21 =	sshll.u32 s6, $0x1;
	s3 =	sadd.s32 s4, s19  }
0x9c: {  	s7 =	simm.s32 $0x0;
	s20 =	sshll.u32 s5, $0x1;
	s5 =	sadd.s32 s21, s3  }
0x9d: {  	[timem:s7], [sflag:s22] =	dma.local [hbm:s5], s20  }
0x9e: {  	_ =	swait.ge [sflag:s22], s20  }
0x9f: {  	s4 =	ssub.s32 $0x0, s20;
	[sflag:s22] =	ssyncset.done $0x0  }
0xa0: {  	[sflag:s22] =	ssyncadd.s32 s4;
	_ =	sdelay $0x1  }
0xa1: {  	s23 =	simm.s32 $0x1B8B  }
0xa2: {  	_ =	swait.ge [sflag:s23], $0x1  }
0xa3: {  	[sflag:s23] =	ssyncset.done $0x0  }
0xa4: {  	s25 =	simm.s32 $0x1B8E;
	s24 =	sld [smem:$0x3FFE];
	[sflag:s23] =	ssyncadd.s32 $0xFFFFFFFF  }
0xa5: {  	s26 =	simm.s32 $execute0_lowered;
	[smem:$0x3FD2] =	sst s25  }
0xa6: {  	s5 =	sshll.u32 s26, $0x1;
	_ =	strace $0x80000046;
	[dreg:$0x1] =	wrdreg $0xFFFFFFFF  }
0xa7: {  	s28 =	simm.s32 $_size_execute0_lowered;
	s3 =	sadd.s32 s3, s5;
	[dreg:$0x0] =	wrdreg $0x0  }
0xa8: {  	s5 =	sshll.u32 s28, $0x1;
	[dreg:$0x2] =	wrdreg s3  }
0xa9: {  	[dreg:$0x3] =	wrdreg s5  }
0xaa: {  	[dreg:$0x4] =	wrdreg $0xC0  }
0xab: {  	_ =	task [dreg:s7], $0x5FFFF  }
0xac: {  	[dreg:$0x1] =	wrdreg $0xFFFFFFFF  }
0xad: {  	[dreg:$0x0] =	wrdreg $0x60  }
0xae: {  	[dreg:$0x2] =	wrdreg s24  }
0xaf: {  	[dreg:$0x3] =	wrdreg s2  }
0xb0: {  	[dreg:$0x4] =	wrdreg $0x9  }
0xb1: {  	_ =	task.clear_ibuf [dreg:s7], $0x5FFFF;
	_ =	strace $0x90000046  }
0xb2: {  	s29 =	simm.s32 $0x9;
	_ =	strace $0x80000048  }
0xb3: {  	_ =	swait.ge [sflag:s29], $0x1  }
0xb4: {  	[sflag:s29] =	ssyncadd.s32 $0xFFFFFFFF  }
0xb5: {  	_ =	strace $0x90000048  }
0xb6: {  	_ =	sfence  }
0xb7: {  	s30 =	sld [smem:$0x0];
	_ =	sdelay $0x2  }
0xb8: {  	s31 =	sshll.u32 s1, $0xD;
	s1 =	sshrl.u32 s1, $0x2  }
0xb9: {  	s3 =	sand.u32 $0x4000, s31;
	s1 =	sadd.s32 s1, s30  }
0xba: {  	s0 =	sor.u32 s3, s0;
	s1 =	sshll.u32 s1, $0x11  }
0xbb: {  	s0 =	sor.u32 s1, s0  }
0xbc: {  	s0 =	sadd.s32 $0x8F2B, s0  }
0xbd: {  	[sflag:s0] =	ssyncadd.remote.s32 $0x1  }
0xbe: {  	_ =	sfence.sel $0xFFFF  }
0xbf: {  	[dreg:$0x0] =	wrdreg $0xFFFFFFFF;
	(pc) =	sbr.abs _section_cstart, $3  }
0xc0: {  	[dreg:$0x1] =	wrdreg $0xFFFFFFFF  }
0xc1: {  	_ =	task.clear_ibuf [dreg:s7], $0x2FFFF;
	_ =	strace $0x9FFFFFFF  }
0xc2: {  	(tm) =	ssettm $0x7FFFFFFF  }
0xc3: {  	_ =	shalt  }
tec
execute0_lowered:
.L_overlay_start_1:
0x0: {  	(tag) =	ssettag $0x1  }
0x1: {  	s1 =	srdreg.scid;
	s6 =	rddreg [dreg:$0x0]  }
0x2: {  	s0 =	stileid.u32;
	s2 =	rddreg [dreg:$0x1];
	s3 =	simm.s32 $0x0  }
0x3: {  	s10 =	simm.s32 $0x9A00;
	s11 =	simm.s32 $0x64;
	s12 =	simm.s32 $0x6800  }
0x4: {  	s13 =	simm.s32 $0x8100;
	s14 =	simm.s32 $0x1;
	s5 =	sand.u32 $0x1, s1  }
0x5: {  	s15 =	simm.s32 $0x2;
	s4 =	sshll.u32 s0, $0x9;
	s7 =	sshll.u32 s5, $0x8  }
0x6: {  	s16 =	simm.s32 $0x0;
	s1 =	rddreg [dreg:$0x2];
	s4 =	sor.u32 s7, s4  }
0x7: {  	[smem:$0x7FF] =	sst s3;
	s8 =	ssub.s32 $0x2, s5;
	s7 =	smul.u32 $0xD, s4  }
0x8: {  	_ =	strace $0x80000047;
	s5 =	sadd.s32 $0xF43000, s6;
	s9 =	sshrl.u32 s8, $0x1  }
0x9: {  	s8 =	ssub.s32 s8, s9;
	s9 =	simm.s32 $0x3;
	s7 =	sadd.s32 s7, s6  }
0xa: {  	s8 =	smax.u32 s8, $0x1;
	s6 =	sadd.s32 $0x1AC00, s6;
	s7 =	sadd.s32 $0xC00, s7  }
.LBB2_1:
0xb: {  	[tilespmem:s3], [sflag:$0x3] =	stream.linear.gather [hbm4b:s7+s3], $0x6800, $0x38;
	[tilespmem:$0xCC00] =	vst v63  }
0xc: {  	_ =	swait.ge [sflag:s9], $0x6800  }
0xd: {  	[sflag:s9] =	ssyncset.done $0x0  }
0xe: {  	[sflag:s9] =	ssyncadd.s32 $0xFFFF9800  }
0xf: {  	[tilespmem:s10], [sflag:$0x3] =	stream.linear.gather [hbm4b:s6+s3], $0x3200, $0x38;
	[tilespmem:$0xCC00] =	vst v63  }
0x10: {  	_ =	swait.ge [sflag:s9], $0x3200  }
0x11: {  	[sflag:s9] =	ssyncset.done $0x0  }
0x12: {  	s17 =	simm.s32 $0x0;
	[sflag:s9] =	ssyncadd.s32 $0xFFFFCE00  }
0x13: {  	[tilespmem:s12], [sflag:$0x1] =	stream.indirect.gather [hbm4b:s5+s11], $0x40, s3, s11, $0xb8;
	[tilespmem:$0xCC00] =	vst v63  }
.LBB2_2:
0x14: {  	s18 =	smul.u32 $0x340, s17;
	_ =	sdelay $0x1  }
0x15: {  	s18 =	sshra.s32 s18, $0x2  }
0x16: {  	s19 =	sadd.s32 $0x68, s18  }
0x17: {  	[tilespmem:s13], [sflag:$0x2] =	stream.indirect.gather [hbm4b:s5+s11], $0x40, s19, s11, $0xb8;
	[tilespmem:$0xCC00] =	vst v63  }
0x18: {  	_ =	swait.ge [sflag:s14], $0x1900  }
0x19: {  	[sflag:s14] =	ssyncset.done $0x0  }
0x1a: {  	s20 =	simm.s32 $0x70;
	[sflag:s14] =	ssyncadd.s32 $0xFFFFE700  }
0x1b: {  	v6 =	vld [tilespmem:s20+$0x9990]  }
0x1c: {  	v11 =	vld [tilespmem:s20+$0x99A0]  }
0x1d: {  	v5 =	vld [tilespmem:s20+$0x99B0]  }
0x1e: {  	v4 =	vld [tilespmem:s20+$0x99C0]  }
0x1f: {  	v3 =	vld [tilespmem:s20+$0x99D0]  }
0x20: {  	v2 =	vld [tilespmem:s20+$0x99E0]  }
0x21: {  	v1 =	vld [tilespmem:s20+$0x99F0]  }
0x22: {  	v0 =	vld [tilespmem:s20+$0x9A00]  }
0x23: {  	v12 =	vld [tilespmem:s20+$0x6790]  }
0x24: {  	v13 =	vld [tilespmem:s20+$0x67A0]  }
0x25: {  	v10 =	vld [tilespmem:s20+$0x67B0]  }
0x26: {  	v9 =	vld [tilespmem:s20+$0x67C0]  }
0x27: {  	v8 =	vld [tilespmem:s20+$0x67D0]  }
0x28: {  	v7 =	vld [tilespmem:s20+$0x67E0];
	v12 =	vadd.f32 v6, v12  }
0x29: {  	s19 =	simm.s32 $0x3C0;
	v11 =	vadd.f32 v11, v13;
	v6 =	vld [tilespmem:s20+$0x67F0]  }
.LBB2_3:
0x2a: {  	s21 =	sshra.s32 s19, $0x2;
	p0 =	sne.s32 s19, $0x63C0;
	[tilespmem:s20+$0x6790] =	vst v12;
	v5 =	vadd.f32 v5, v10;
	v10 =	vld [tilespmem:s20+$0x6800]  }
0x2b: {  	v12 =	vld [tilespmem:s21+$0x9990];
	[tilespmem:s20+$0x67A0] =	vst v11;
	v4 =	vadd.f32 v4, v9  }
0x2c: {  	v11 =	vld [tilespmem:s21+$0x99A0];
	[tilespmem:s20+$0x67B0] =	vst v5;
	v3 =	vadd.f32 v3, v8  }
0x2d: {  	v5 =	vld [tilespmem:s21+$0x99B0];
	[tilespmem:s20+$0x67C0] =	vst v4;
	v2 =	vadd.f32 v2, v7  }
0x2e: {  	v4 =	vld [tilespmem:s21+$0x99C0];
	[tilespmem:s20+$0x67D0] =	vst v3;
	v1 =	vadd.f32 v1, v6  }
0x2f: {  	v3 =	vld [tilespmem:s21+$0x99D0];
	[tilespmem:s20+$0x67E0] =	vst v2;
	v0 =	vadd.f32 v0, v10  }
0x30: {  	v2 =	vld [tilespmem:s21+$0x99E0];
	[tilespmem:s20+$0x67F0] =	vst v1  }
0x31: {  	v1 =	vld [tilespmem:s21+$0x99F0];
	[tilespmem:s20+$0x6800] =	vst v0;
	s20 =	smov.u32 s21  }
0x32: {  	v0 =	vld [tilespmem:s20+$0x9A00]  }
0x33: {  	v6 =	vld [tilespmem:s20+$0x6790]  }
0x34: {  	v13 =	vld [tilespmem:s20+$0x67A0]  }
.Ltmp0:
0x35: {  	v10 =	vld [tilespmem:s20+$0x67B0];
	(pc) =	sbr.rel @p0 .LBB2_3-.Ltmp0, $4  }
0x36: {  	v9 =	vld [tilespmem:s20+$0x67C0]  }
0x37: {  	v8 =	vld [tilespmem:s20+$0x67D0]  }
0x38: {  	v12 =	vadd.f32 v12, v6;
	v7 =	vld [tilespmem:s20+$0x67E0]  }
0x39: {  	s19 =	sadd.s32 $0x200, s19;
	v11 =	vadd.f32 v11, v13;
	v6 =	vld [tilespmem:s20+$0x67F0]  }
0x3a: {  	[tilespmem:s20+$0x6790] =	vst v12;
	v5 =	vadd.f32 v5, v10;
	v10 =	vld [tilespmem:s20+$0x6800]  }
0x3b: {  	[tilespmem:s20+$0x67A0] =	vst v11;
	v4 =	vadd.f32 v4, v9  }
0x3c: {  	[tilespmem:s20+$0x67B0] =	vst v5;
	v3 =	vadd.f32 v3, v8  }
0x3d: {  	s19 =	sshll.u32 s17, $0x1;
	[tilespmem:s20+$0x67C0] =	vst v4;
	v2 =	vadd.f32 v2, v7  }
0x3e: {  	s19 =	sadd.s32 s4, s19;
	[tilespmem:s20+$0x67D0] =	vst v3;
	v1 =	vadd.f32 v1, v6  }
0x3f: {  	s21 =	smul.u32 $0x320, s19;
	[tilespmem:s20+$0x67E0] =	vst v2;
	v0 =	vadd.f32 v0, v10  }
0x40: {  	[tilespmem:s20+$0x67F0] =	vst v1  }
0x41: {  	s31 =	sadd.s32 s2, s21;
	[tilespmem:s20+$0x6800] =	vst v0  }
0x42: {  	[hbm4b:s31+s3] =	stream.linear.scatter [tilespmem:s12], [sflag:$0x3], $0x1900, $0x38;
	[tilespmem:$0xCC00] =	vst v63  }
0x43: {  	p0 =	seq.s32 s17, $0x7F;
	_ =	swait.ge [sflag:s9], $0x1900  }
0x44: {  	s18 =	sadd.s32 @!p0 $0xD0, s18;
	[sflag:s9] =	ssyncset.done $0x0  }
0x45: {  	s21 =	simm.s32 @!p0 $0x6800;
	s20 =	simm.s32 @!p0 $0x64;
	[sflag:s9] =	ssyncadd.s32 $0xFFFFE700  }
0x46: {  	[tilespmem:s21], [sflag:$0x1] =	stream.indirect.gather @!p0 [hbm4b:s5+s20], $0x40, s18, s20, $0xb8;
	[tilespmem:$0xCC00] =	vst v63  }
0x47: {  	_ =	swait.ge [sflag:s15], $0x1900  }
0x48: {  	[sflag:s15] =	ssyncset.done $0x0  }
0x49: {  	s18 =	simm.s32 $0x0;
	[sflag:s15] =	ssyncadd.s32 $0xFFFFE700  }
0x4a: {  	v6 =	vld [tilespmem:s18+$0xB300]  }
0x4b: {  	v11 =	vld [tilespmem:s18+$0xB310]  }
0x4c: {  	v5 =	vld [tilespmem:s18+$0xB320]  }
0x4d: {  	v4 =	vld [tilespmem:s18+$0xB330]  }
0x4e: {  	v3 =	vld [tilespmem:s18+$0xB340]  }
0x4f: {  	v2 =	vld [tilespmem:s18+$0xB350]  }
0x50: {  	v1 =	vld [tilespmem:s18+$0xB360]  }
0x51: {  	v0 =	vld [tilespmem:s18+$0xB370]  }
0x52: {  	v12 =	vld [tilespmem:s18+$0x8100]  }
0x53: {  	v13 =	vld [tilespmem:s18+$0x8110]  }
0x54: {  	v10 =	vld [tilespmem:s18+$0x8120]  }
0x55: {  	v9 =	vld [tilespmem:s18+$0x8130]  }
0x56: {  	v8 =	vld [tilespmem:s18+$0x8140]  }
0x57: {  	v7 =	vld [tilespmem:s18+$0x8150];
	v12 =	vadd.f32 v6, v12  }
0x58: {  	s20 =	simm.s32 $0x200;
	v11 =	vadd.f32 v11, v13;
	v6 =	vld [tilespmem:s18+$0x8160]  }
.LBB2_5:
0x59: {  	s21 =	sshra.s32 s20, $0x2;
	p0 =	sne.s32 s20, $0x6200;
	[tilespmem:s18+$0x8100] =	vst v12;
	v5 =	vadd.f32 v5, v10;
	v10 =	vld [tilespmem:s18+$0x8170]  }
0x5a: {  	v12 =	vld [tilespmem:s21+$0xB300];
	[tilespmem:s18+$0x8110] =	vst v11;
	v4 =	vadd.f32 v4, v9  }
0x5b: {  	v11 =	vld [tilespmem:s21+$0xB310];
	[tilespmem:s18+$0x8120] =	vst v5;
	v3 =	vadd.f32 v3, v8  }
0x5c: {  	v5 =	vld [tilespmem:s21+$0xB320];
	[tilespmem:s18+$0x8130] =	vst v4;
	v2 =	vadd.f32 v2, v7  }
0x5d: {  	v4 =	vld [tilespmem:s21+$0xB330];
	[tilespmem:s18+$0x8140] =	vst v3;
	v1 =	vadd.f32 v1, v6  }
0x5e: {  	v3 =	vld [tilespmem:s21+$0xB340];
	[tilespmem:s18+$0x8150] =	vst v2;
	v0 =	vadd.f32 v0, v10  }
0x5f: {  	v2 =	vld [tilespmem:s21+$0xB350];
	[tilespmem:s18+$0x8160] =	vst v1  }
0x60: {  	v1 =	vld [tilespmem:s21+$0xB360];
	[tilespmem:s18+$0x8170] =	vst v0;
	s18 =	smov.u32 s21  }
0x61: {  	v0 =	vld [tilespmem:s18+$0xB370]  }
0x62: {  	v6 =	vld [tilespmem:s18+$0x8100]  }
0x63: {  	v13 =	vld [tilespmem:s18+$0x8110]  }
.Ltmp1:
0x64: {  	v10 =	vld [tilespmem:s18+$0x8120];
	(pc) =	sbr.rel @p0 .LBB2_5-.Ltmp1, $4  }
0x65: {  	v9 =	vld [tilespmem:s18+$0x8130]  }
0x66: {  	v8 =	vld [tilespmem:s18+$0x8140]  }
0x67: {  	v12 =	vadd.f32 v12, v6;
	v7 =	vld [tilespmem:s18+$0x8150]  }
0x68: {  	s20 =	sadd.s32 $0x200, s20;
	v11 =	vadd.f32 v11, v13;
	v6 =	vld [tilespmem:s18+$0x8160]  }
0x69: {  	[tilespmem:s18+$0x8100] =	vst v12;
	v5 =	vadd.f32 v5, v10;
	v63 =	vld [tilespmem:s18+$0x8170]  }
0x6a: {  	[tilespmem:s18+$0x8110] =	vst v11;
	v4 =	vadd.f32 v4, v9  }
0x6b: {  	[tilespmem:s18+$0x8120] =	vst v5;
	v3 =	vadd.f32 v3, v8  }
0x6c: {  	s19 =	smul.u32 $0x1900, s19;
	[tilespmem:s18+$0x8130] =	vst v4;
	v2 =	vadd.f32 v2, v7  }
0x6d: {  	[tilespmem:s18+$0x8140] =	vst v3;
	v1 =	vadd.f32 v1, v6  }
0x6e: {  	s17 =	sadd.s32 $0x1, s17;
	s19 =	sshrl.u32 s19, $0x3;
	[tilespmem:s18+$0x8150] =	vst v2;
	v0 =	vadd.f32 v0, v63  }
0x6f: {  	p0 =	sne.s32 s17, $0x80;
	s19 =	sadd.s32 s2, s19;
	[tilespmem:s18+$0x8160] =	vst v1  }
.Ltmp2:
0x70: {  	s31 =	sadd.s32 $0x320, s19;
	[tilespmem:s18+$0x8170] =	vst v0;
	(pc) =	sbr.rel @p0 .LBB2_2-.Ltmp2, $4  }
0x71: {  	[hbm4b:s31+s3] =	stream.linear.scatter [tilespmem:s13], [sflag:$0x3], $0x1900, $0x38;
	[tilespmem:$0xCC00] =	vst v63  }
0x72: {  	_ =	swait.ge [sflag:s9], $0x1900  }
0x73: {  	[sflag:s9] =	ssyncset.done $0x0  }
0x74: {  	[sflag:s9] =	ssyncadd.s32 $0xFFFFE700  }
0x75: {  	s16 =	sadd.s32 $0x1, s16  }
0x76: {  	p0 =	sne.s32 s16, s8  }
.Ltmp3:
0x77: {  	_ = 	snop;
	(pc) =	sbr.rel @p0 .LBB2_1-.Ltmp3, $1  }
0x78: {  	_ =	sdelay $0x3  }
0x79: {  	_ =	sfence.sel $0x180000  }
0x7a: {  	[bflag:$0x0] =	sbarrier.arrive $0xFFFF  }
0x7b: {  	p0 =	sne.s32 s0, $0x0;
	_ =	strace $0x90000047  }
0x7c: {  	s0 =	sadd.s32 @!p0 $0x100000, s1;
	[bflag:$0x2] =	sbarrier.arrive $0xFFFF  }
0x7d: {  	[sflag:s0] =	ssyncadd.tile.s32 @!p0 $0x1;
	_ =	shalt  }
.Lfunc_end2:
_tile_overlayer_lowered:
.L_overlay_start_2:
0x7e: {  	(tag) =	ssettag $0x2  }
0x7f: {  	s0 =	rddreg [dreg:$0x0];
	s2 =	stileid.u32  }
0x80: {  	s1 =	rddreg [dreg:$0x1];
	p0 =	sne.s32 s2, $0x0  }
0x81: {  	s3 =	rddreg [dreg:$0x2];
	[bflag:$0x3] =	sbarrier.arrive $0xFFFF;
	s2 =	simm.s32 @!p0 $0x1C03  }
0x82: {  	[timem:s3], [sflag:s2] =	dma.local @!p0 [hbm:s0], s1  }
0x83: {  	s0 =	simm.s32 @!p0 $0x3  }
0x84: {  	_ =	swait.ge @!p0 [sflag:s0], s1  }
0x85: {  	s1 =	ssub.s32 @!p0 $0x0, s1;
	[sflag:s0] =	ssyncset.done @!p0 $0x0  }
0x86: {  	[sflag:s0] =	ssyncadd.s32 @!p0 s1  }
0x87: {  	[bflag:$0x3] =	sbarrier.arrive $0xFFFF  }
0x88: {  	_ =	shalt  }

// kernel: sparse-core-data-format-call.cloned.1.call-start
scs
called_computation_lowered:
.L_overlay_start_0:
0x0: {  	s2 =	sld [smem:$0x3FD9]  }
0x1: {  	s3 =	sld [smem:$0x3FFE];
	_ =	sdelay $0x1  }
0x2: {  	s1 =	srdreg.scid  }
0x3: {  	s0 =	sand.u32 $0x1, s1  }
0x4: {  	s18 =	sshll.u32 s0, $0xA;
	s2 =	sadd.s32 s3, s2  }
0x5: {  	s2 =	sadd.s32 s2, s18  }
0x6: {  	[smem:$0x3FC5] =	sst s2  }
0x7: {  	_ = 	snop  }
0x8: {  	s2 =	sld [smem:$0x3FD0];
	(tm) =	ssettm $0x1  }
0x9: {  	s19 =	sld [smem:$0x3FFB];
	_ =	sdelay $0x3  }
0xa: {  	_ =	strace s19  }
0xb: {  	s3 =	sld [smem:$0x3FFC];
	_ =	sdelay $0x3  }
0xc: {  	_ =	strace s3  }
0xd: {  	s3 =	sld [smem:$0x3FFD];
	_ =	sdelay $0x3  }
0xe: {  	_ =	strace s3  }
0xf: {  	_ =	strace $0x8FFFFFFF  }
0x10: {  	s20 =	sld [smem:$0x3FDB];
	_ =	sdelay $0x1  }
0x11: {  	s4 =	simm.s32 $_scs_section_size  }
0x12: {  	s5 =	simm.s32 $_size__tile_overlayer_lowered;
	s6 =	simm.s32 $_tile_overlayer_lowered  }
0x13: {  	s23 =	simm.s32 $0x1BFF;
	s22 =	sshll.u32 s6, $0x1;
	s3 =	sadd.s32 s4, s20  }
0x14: {  	s7 =	simm.s32 $0x0;
	s21 =	sshll.u32 s5, $0x1;
	s5 =	sadd.s32 s22, s3  }
0x15: {  	[timem:s7], [sflag:s23] =	dma.local [hbm:s5], s21  }
0x16: {  	_ =	swait.ge [sflag:s23], s21  }
0x17: {  	s4 =	ssub.s32 $0x0, s21;
	[sflag:s23] =	ssyncset.done $0x0  }
0x18: {  	[sflag:s23] =	ssyncadd.s32 s4;
	_ =	sdelay $0x1  }
0x19: {  	s24 =	simm.s32 $0x1B8B  }
0x1a: {  	_ =	swait.ge [sflag:s24], $0x1  }
0x1b: {  	[sflag:s24] =	ssyncset.done $0x0  }
0x1c: {  	s26 =	simm.s32 $0x1B8E;
	s25 =	sld [smem:$0x3FFE];
	[sflag:s24] =	ssyncadd.s32 $0xFFFFFFFF  }
0x1d: {  	s27 =	simm.s32 $execute0_lowered;
	[smem:$0x3FD2] =	sst s26  }
0x1e: {  	s5 =	sshll.u32 s27, $0x1;
	_ =	strace $0x80000049;
	[dreg:$0x1] =	wrdreg $0xFFFFFFFF  }
0x1f: {  	s28 =	simm.s32 $_size_execute0_lowered;
	s3 =	sadd.s32 s3, s5;
	[dreg:$0x0] =	wrdreg $0x0  }
0x20: {  	s5 =	sshll.u32 s28, $0x1;
	[dreg:$0x2] =	wrdreg s3  }
0x21: {  	[dreg:$0x3] =	wrdreg s5  }
0x22: {  	[dreg:$0x4] =	wrdreg $0xC0  }
0x23: {  	_ =	task [dreg:s7], $0x5FFFF  }
0x24: {  	[dreg:$0x1] =	wrdreg $0xFFFFFFFF  }
0x25: {  	[dreg:$0x0] =	wrdreg $0x60  }
0x26: {  	[dreg:$0x2] =	wrdreg s25  }
0x27: {  	[dreg:$0x3] =	wrdreg s2  }
0x28: {  	[dreg:$0x4] =	wrdreg $0x9  }
0x29: {  	_ =	task.clear_ibuf [dreg:s7], $0x5FFFF;
	_ =	strace $0x90000049  }
0x2a: {  	s29 =	simm.s32 $0x9;
	_ =	strace $0x8000004B  }
0x2b: {  	_ =	swait.ge [sflag:s29], $0x1  }
0x2c: {  	[sflag:s29] =	ssyncadd.s32 $0xFFFFFFFF  }
0x2d: {  	_ =	strace $0x9000004B  }
0x2e: {  	_ =	sfence  }
0x2f: {  	s30 =	sld [smem:$0x0];
	_ =	sdelay $0x2  }
0x30: {  	s31 =	sshll.u32 s1, $0xD;
	s1 =	sshrl.u32 s1, $0x2  }
0x31: {  	s3 =	sand.u32 $0x4000, s31;
	s1 =	sadd.s32 s1, s30  }
0x32: {  	s0 =	sor.u32 s3, s0;
	s1 =	sshll.u32 s1, $0x11  }
0x33: {  	s0 =	sor.u32 s1, s0  }
0x34: {  	s0 =	sadd.s32 $0x8F2B, s0  }
0x35: {  	[sflag:s0] =	ssyncadd.remote.s32 $0x1  }
0x36: {  	_ =	sfence.sel $0xFFFF  }
0x37: {  	[dreg:$0x0] =	wrdreg $0xFFFFFFFF;
	(pc) =	sbr.abs _section_cstart, $3  }
0x38: {  	[dreg:$0x1] =	wrdreg $0xFFFFFFFF  }
0x39: {  	_ =	task.clear_ibuf [dreg:s7], $0x2FFFF;
	_ =	strace $0x9FFFFFFF  }
0x3a: {  	(tm) =	ssettm $0x7FFFFFFF  }
0x3b: {  	_ =	shalt  }
tec
execute0_lowered:
.L_overlay_start_1:
0x0: {  	(tag) =	ssettag $0x1  }
0x1: {  	s0 =	srdreg.scid  }
0x2: {  	s1 =	sshll.u32 s0, $0x4  }
0x3: {  	s0 =	stileid.u32;
	s1 =	sand.u32 $0x10, s1  }
0x4: {  	s1 =	sor.u32 s0, s1  }
0x5: {  	s6 =	rddreg [dreg:$0x0];
	s4 =	simm.s32 $0x1;
	s2 =	sshll.u32 s1, $0x7  }
0x6: {  	s7 =	simm.s32 $0x2;
	s12 =	simm.s32 $0x0;
	s1 =	ssub.s32 $0x1000, s2  }
0x7: {  	s8 =	simm.s32 $0x8000;
	s13 =	simm.s32 $0x0;
	s3 =	sand.u32 $0xF80, s1  }
0x8: {  	s9 =	simm.s32 $0x0;
	s5 =	sshrl.u32 s1, $0xC;
	p0 =	sne.s32 s3, $0x0  }
.Ltmp0:
0x9: {  	s1 =	rddreg [dreg:$0x2];
	s4 =	simm.s32 @!p0 $0x0;
	(pc) =	sbr.rel .LBB1_1-.Ltmp0, $4  }
0xa: {  	s11 =	simm.s32 $0x0;
	s3 =	rddreg [dreg:$0x1];
	s5 =	sadd.s32 s4, s5  }
0xb: {  	_ =	strace $0x8000004A;
	s4 =	simm.s32 $0x1;
	s5 =	smul.u32 $0xC8, s5  }
0xc: {  	s6 =	sadd.s32 $0xC00, s6;
	s10 =	smov.u32 s2;
	[sflag:s4] =	ssyncpa.u1 $0x0  }
0xd: {  	p0 =	por $0x0, $0x0;
	[sflag:s7] =	ssyncpa.u1 $0x0;
	s7 =	sor.u32 $0x1, s5  }
.LBB1_4:
0xe: {  	s16 =	sshll.u32 s13, $0x3;
	s17 =	sand.u32 $0x78, s13  }
0xf: {  	s30 =	sand.u32 $0x7E00, s13;
	s12 =	sshll.u32 s12, $0xF;
	s16 =	sand.u32 $0xC00, s16  }
0x10: {  	[tilespmem:s15+$0x810 ss:$0x81] =	vst.msk $0xffff, v2;
	s31 =	sand.u32 $0x7, s13;
	s16 =	sor.u32 s17, s16;
	s17 =	sadd.s32 s3, s30  }
0x11: {  	[tilespmem:s15+$0x1020 ss:$0x81] =	vst.msk $0xffff, v0;
	s13 =	sshll.u32 s31, $0x12;
	s12 =	sadd.s32 s12, s17;
	s16 =	sshrl.u32 s16, $0x3  }
0x12: {  	[tilespmem:s15+$0x0 ss:$0x81] =	vst.msk $0xffff, v1;
	s13 =	sor.u32 $0x400, s13;
	s12 =	sadd.s32 s16, s12  }
0x13: {  	[hbm4b:s12+s13] =	stream.strided.scatter [tilespmem:s14], [sflag:$0x2], $0x2000, s8, s13, $0x20;
	[tilespmem:$0x8080] =	vst v63  }
.LBB1_5:
0x14: {  	s14 =	sadd.s32 $0x1, s9  }
0x15: {  	s12 =	sadd.s32 $0x1000, s10;
	s16 =	smov.u32 s10;
	p2 =	sgt.s32 s14, $0xC7  }
0x16: {  	s16 =	smov.u32 @p2 s12  }
0x17: {  	s14 =	simm.s32 @p2 $0x0;
	p2 =	sgt.s32 s16, $0xFFF  }
0x18: {  	s16 =	smov.u32 @p2 s2;
	p2 =	sne.s32 s11, s7  }
.Ltmp1:
0x19: {  	p1 =	slt.u32 s11, $0x2;
	(pc) =	sbr.rel @!p2 .LBB1_6-.Ltmp1, $4  }
0x1a: {  	s15 =	simm.s32 @!p1 $0x2  }
0x1b: {  	s13 =	smov.u32 s10;
	p0 =	por !p0, !p0;
	_ =	swait.ge @!p1 [sflag:s15], $0x2000  }
0x1c: {  	s12 =	smov.u32 s9;
	[sflag:s15] =	ssyncset.done @!p1 $0x0;
	s9 =	smov.u32 s14  }
0x1d: {  	s11 =	sadd.s32 $0x1, s11;
	[sflag:s15] =	ssyncadd.s32 @!p1 $0xFFFFE000;
	s10 =	smov.u32 s16  }
.LBB1_1:
0x1e: {  	p1 =	sge.u32 s11, s5  }
0x1f: {  	s14 =	sand.u32 @!p1 $0x1FFFFFF, s9  }
0x20: {  	s15 =	smulhi.u32 @!p1 $0x147AE15, s14;
	_ =	sdelay $0x1  }
0x21: {  	s15 =	smul.u32 @!p1 $0xC8, s15  }
0x22: {  	s16 =	sxor.u32 @!p1 $0xFFFFFFFF, s11;
	s17 =	smul.u32 @!p1 $0xC80, s10  }
0x23: {  	s31 =	sadd.s32 $0xFFFFFFFF, s11;
	s16 =	sshll.u32 @!p1 s16, $0xD;
	s14 =	ssub.s32 @!p1 s14, s15  }
0x24: {  	s15 =	sand.u32 @!p1 $0x2000, s16;
	s16 =	sadd.s32 @!p1 s6, s17;
	s14 =	sshll.u32 @!p1 s14, $0x4  }
0x25: {  	s17 =	simm.s32 @!p1 $0x6400;
	s14 =	sadd.s32 @!p1 s14, s16;
	s16 =	simm.s32 @!p1 $0x40  }
0x26: {  	[tilespmem:s15], [sflag:$0x1] =	stream.strided.gather @!p1 [hbm4b:s14+s16], $0x2000, s17, s16, $0x38;
	[tilespmem:$0x8080] =	vst v63  }
0x27: {  	p1 =	sge.u32 s31, s5  }
.Ltmp2:
0x28: {  	_ = 	snop;
	(pc) =	sbr.rel @p1 .LBB1_5-.Ltmp2, $1  }
0x29: {  	_ =	sdelay $0x3  }
0x2a: {  	s14 =	simm.s32 $0x1  }
0x2b: {  	_ =	swait.ge [sflag:s4], $0x2000;
	s14 =	simm.s32 @!p0 $0x0  }
0x2c: {  	[sflag:s4] =	ssyncset.done $0x0;
	s15 =	sshll.u32 s14, $0xD  }
0x2d: {  	[sflag:s4] =	ssyncadd.s32 $0xFFFFE000;
	s18 =	sor.u32 $0x20, s15  }
0x2e: {  	s14 =	smul.u32 $0x8100, s14;
	v3 =	vld [tilespmem:s18+$0x10]  }
0x2f: {  	s30 =	sand.u32 $0x1, s11;
	v2 =	vld [tilespmem:s18+$0xFFFFFFF0]  }
0x30: {  	s15 =	smul.u32 $0x8100, s30;
	s14 =	sshrl.u32 s14, $0x2;
	v0 =	vld [tilespmem:s18+$0x0]  }
0x31: {  	v1 =	vld [tilespmem:s18+$0xFFFFFFE0];
	s16 =	sor.u32 $0x4000, s14  }
0x32: {  	s31 =	sshrl.u32 s15, $0x2;
	s15 =	sadd.s32 $0x0, s16  }
0x33: {  	s17 =	simm.s32 $0x4;
	s18 =	sadd.s32 $0x40, s18;
	s14 =	sor.u32 $0x4000, s31;
	[tilespmem:s15+$0x1830 ss:$0x81] =	vst.msk $0xffff, v3  }
.LBB1_3:
0x34: {  	v3 =	vld [tilespmem:s18+$0x10];
	p1 =	sne.s32 s17, $0x1FC;
	[tilespmem:s15+$0x810 ss:$0x81] =	vst.msk $0xffff, v2;
	s19 =	smov.u32 s17;
	s17 =	sadd.s32 $0x4, s17  }
.Ltmp3:
0x35: {  	v2 =	vld [tilespmem:s18+$0xFFFFFFF0];
	[tilespmem:s15+$0x1020 ss:$0x81] =	vst.msk $0xffff, v0;
	(pc) =	sbr.rel @p1 .LBB1_3-.Ltmp3, $4  }
0x36: {  	v0 =	vld [tilespmem:s18+$0x0];
	[tilespmem:s15+$0x0 ss:$0x81] =	vst.msk $0xffff, v1  }
0x37: {  	s15 =	sshra.s32 s19, $0x2;
	v1 =	vld [tilespmem:s18+$0xFFFFFFE0]  }
0x38: {  	s15 =	sadd.s32 s15, s16  }
0x39: {  	s18 =	sadd.s32 $0x40, s18;
	[tilespmem:s15+$0x1830 ss:$0x81] =	vst.msk $0xffff, v3  }
.Ltmp4:
0x3a: {  	_ = 	snop;
	(pc) =	sbr.rel .LBB1_4-.Ltmp4, $1  }
0x3b: {  	_ =	sdelay $0x3  }
.LBB1_6:
0x3c: {  	_ =	sfence.sel $0x180000  }
0x3d: {  	s2 =	simm.s32 $0x1;
	[bflag:$0x0] =	sbarrier.arrive $0xFFFF  }
0x3e: {  	s31 =	simm.s32 $0x2;
	[sflag:s2] =	ssyncpa.u1 $0x1  }
0x3f: {  	[sflag:s31] =	ssyncpa.u1 $0x1  }
0x40: {  	p0 =	sne.s32 s0, $0x0;
	_ =	strace $0x9000004A  }
0x41: {  	s0 =	sadd.s32 @!p0 $0x100000, s1;
	[bflag:$0x2] =	sbarrier.arrive $0xFFFF  }
0x42: {  	[sflag:s0] =	ssyncadd.tile.s32 @!p0 $0x1;
	_ =	shalt  }
.Lfunc_end1:
_tile_overlayer_lowered:
.L_overlay_start_2:
0x43: {  	(tag) =	ssettag $0x2  }
0x44: {  	s0 =	rddreg [dreg:$0x0];
	s2 =	stileid.u32  }
0x45: {  	s1 =	rddreg [dreg:$0x1];
	p0 =	sne.s32 s2, $0x0  }
0x46: {  	s3 =	rddreg [dreg:$0x2];
	[bflag:$0x3] =	sbarrier.arrive $0xFFFF;
	s2 =	simm.s32 @!p0 $0x1C01  }
0x47: {  	[timem:s3], [sflag:s2] =	dma.local @!p0 [hbm:s0], s1  }
0x48: {  	s0 =	simm.s32 @!p0 $0x1  }
0x49: {  	_ =	swait.ge @!p0 [sflag:s0], s1  }
0x4a: {  	s1 =	ssub.s32 @!p0 $0x0, s1;
	[sflag:s0] =	ssyncset.done @!p0 $0x0  }
0x4b: {  	[sflag:s0] =	ssyncadd.s32 @!p0 s1  }
0x4c: {  	[bflag:$0x3] =	sbarrier.arrive $0xFFFF  }
0x4d: {  	_ =	shalt  }

</sc_bundles>
